<compile_context>
chip_gen: v7x
topology: tpu7x:2x2x1
jax: 0.10.2.dev20260603
libtpu: 0.0.44.dev20260713+nightly
codegen_flags: <defaults>
</compile_context>

<pallas_src>
import dataclasses
import functools

import jax
import jax.numpy as jnp
from jax import lax
from jax.experimental import pallas as pl
from jax.experimental.pallas import tpu as pltpu
from jax.experimental.pallas import tpu_sc as plsc

N = 10000
NPAD = 10240
E = 320000
NW = 32
BLK = 128
NBLK = 79
EW = BLK * NBLK
EPAD = NW * EW
ROWS_PER_TILE = NPAD // 16



def _tc_embed(x_ref, w_ref, as_ref, ad_ref, h_out, asrc_out, adst_out, m_out):
    h = jnp.dot(x_ref[...], w_ref[...], preferred_element_type=jnp.float32)
    n = h.shape[0]
    asrc = jnp.sum(h * as_ref[...][None, :], axis=1)
    adst = jnp.sum(h * ad_ref[...][None, :], axis=1)
    h_out[pl.ds(0, n), :] = h
    h_out[pl.ds(n, NPAD - n), :] = jnp.zeros((NPAD - n, h.shape[1]), jnp.float32)
    asrc_out[pl.ds(0, n)] = asrc
    asrc_out[pl.ds(n, NPAD - n)] = jnp.zeros((NPAD - n,), jnp.float32)
    adst_out[pl.ds(0, n)] = adst
    adst_out[pl.ds(n, NPAD - n)] = jnp.zeros((NPAD - n,), jnp.float32)
    m = jnp.maximum(jnp.max(asrc) + jnp.max(adst), 0.0)
    m_out[...] = jnp.full((8, 128), m, jnp.float32)


def _tc_layer1(x, W1, att_src1, att_dst1):
    return pl.pallas_call(
        _tc_embed,
        out_shape=(
            jax.ShapeDtypeStruct((NPAD, 32), jnp.float32),
            jax.ShapeDtypeStruct((NPAD,), jnp.float32),
            jax.ShapeDtypeStruct((NPAD,), jnp.float32),
            jax.ShapeDtypeStruct((8, 128), jnp.float32),
        ),
    )(x, W1, att_src1, att_dst1)


def _tc_mid(num_ref, den_ref, h_ref, asrc_ref, adst_ref, m_ref, b_ref,
            w_ref, as_ref, ad_ref, h_out, asrc_out, adst_out, m_out):
    mshift = m_ref[0, 0]
    a_s = asrc_ref[pl.ds(0, N)]
    a_d = adst_ref[pl.ds(0, N)]
    e = a_s + a_d
    w_self = jnp.exp(jnp.maximum(e, 0.2 * e) - mshift)
    h_prev = h_ref[pl.ds(0, N), :]
    num = (num_ref[0, pl.ds(0, N), :] + num_ref[1, pl.ds(0, N), :]
           + w_self[:, None] * h_prev)
    den = den_ref[0, pl.ds(0, N)] + den_ref[1, pl.ds(0, N)] + w_self + 1e-30
    g = jnp.maximum(num / den[:, None] + b_ref[...][None, :], 0.0)
    h2 = jnp.dot(g, w_ref[...], preferred_element_type=jnp.float32)
    asrc = jnp.sum(h2 * as_ref[...][None, :], axis=1)
    adst = jnp.sum(h2 * ad_ref[...][None, :], axis=1)
    h_out[pl.ds(0, N), :] = h2
    h_out[pl.ds(N, NPAD - N), :] = jnp.zeros((NPAD - N, h2.shape[1]), jnp.float32)
    asrc_out[pl.ds(0, N)] = asrc
    asrc_out[pl.ds(N, NPAD - N)] = jnp.zeros((NPAD - N,), jnp.float32)
    adst_out[pl.ds(0, N)] = adst
    adst_out[pl.ds(N, NPAD - N)] = jnp.zeros((NPAD - N,), jnp.float32)
    m = jnp.maximum(jnp.max(asrc) + jnp.max(adst), 0.0)
    m_out[...] = jnp.full((8, 128), m, jnp.float32)


def _tc_layer2(num_p, den_p, h1, asrc1, adst1, m1, b1, W2, att_src2, att_dst2):
    return pl.pallas_call(
        _tc_mid,
        out_shape=(
            jax.ShapeDtypeStruct((NPAD, 32), jnp.float32),
            jax.ShapeDtypeStruct((NPAD,), jnp.float32),
            jax.ShapeDtypeStruct((NPAD,), jnp.float32),
            jax.ShapeDtypeStruct((8, 128), jnp.float32),
        ),
    )(num_p, den_p, h1, asrc1, adst1, m1, b1, W2, att_src2, att_dst2)


def _tc_fin(num_ref, den_ref, h_ref, asrc_ref, adst_ref, m_ref, b_ref,
            wc_ref, bc_ref, out_ref):
    mshift = m_ref[0, 0]
    a_s = asrc_ref[pl.ds(0, N)]
    a_d = adst_ref[pl.ds(0, N)]
    e = a_s + a_d
    w_self = jnp.exp(jnp.maximum(e, 0.2 * e) - mshift)
    h_prev = h_ref[pl.ds(0, N), :]
    num = (num_ref[0, pl.ds(0, N), :] + num_ref[1, pl.ds(0, N), :]
           + w_self[:, None] * h_prev)
    den = den_ref[0, pl.ds(0, N)] + den_ref[1, pl.ds(0, N)] + w_self + 1e-30
    g = jnp.maximum(num / den[:, None] + b_ref[...][None, :], 0.0)
    logits = jnp.dot(g, wc_ref[...], preferred_element_type=jnp.float32)
    out_ref[...] = jax.nn.sigmoid(logits + bc_ref[...][None, :])


def _tc_final(num_p, den_p, h2, asrc2, adst2, m2, b2, Wc, bc):
    return pl.pallas_call(
        _tc_fin,
        out_shape=jax.ShapeDtypeStruct((N, 32), jnp.float32),
    )(num_p, den_p, h2, asrc2, adst2, m2, b2, Wc, bc)



def _sc_body(src_hbm, dst_hbm, asrc_hbm, adst_hbm, h_hbm, m_hbm,
             znum_hbm, zden_hbm, num_out, den_out,
             num_sh, den_sh, asrc_v, adst_v, src_v, dst_v, rows_v, w_v,
             m_v, sem):
    c = lax.axis_index("c")
    s = lax.axis_index("s")
    wid = c * 16 + s

    pltpu.sync_copy(asrc_hbm, asrc_v)
    pltpu.sync_copy(adst_hbm, adst_v)
    pltpu.sync_copy(src_hbm.at[wid], src_v)
    pltpu.sync_copy(dst_hbm.at[wid], dst_v)
    pltpu.sync_copy(m_hbm, m_v)
    pltpu.sync_copy(znum_hbm, num_sh.at[pl.ds(s * ROWS_PER_TILE, ROWS_PER_TILE)])
    pltpu.sync_copy(zden_hbm, den_sh.at[pl.ds(s * ROWS_PER_TILE, ROWS_PER_TILE)])
    plsc.subcore_barrier()

    m16 = m_v[...]

    @pl.loop(0, NBLK)
    def _blk(b):
        gat = pltpu.async_copy(h_hbm.at[src_v.at[b]], rows_v, sem)
        for v in range(BLK // 16):
            sv = src_v[b, pl.ds(v * 16, 16)]
            dv = dst_v[b, pl.ds(v * 16, 16)]
            e = plsc.load_gather(asrc_v, [sv]) + plsc.load_gather(adst_v, [dv])
            e = jnp.maximum(e, 0.2 * e) - m16
            w_v[pl.ds(v * 16, 16)] = jnp.exp(e)
        gat.wait()

        @pl.loop(0, BLK)
        def _scale(j):
            wj = w_v[pl.ds(j, 16)][0]
            rows_v[j, pl.ds(0, 16)] = rows_v[j, pl.ds(0, 16)] * wj
            rows_v[j, pl.ds(16, 16)] = rows_v[j, pl.ds(16, 16)] * wj

        pltpu.sync_copy(rows_v, num_sh.at[dst_v.at[b]], add=True)
        pltpu.sync_copy(w_v.at[pl.ds(0, BLK)], den_sh.at[dst_v.at[b]], add=True)

    plsc.subcore_barrier()
    rows = pl.ds(s * ROWS_PER_TILE, ROWS_PER_TILE)
    pltpu.sync_copy(num_sh.at[rows], num_out.at[c].at[rows])
    pltpu.sync_copy(den_sh.at[rows], den_out.at[c].at[rows])


@functools.partial(jax.jit, static_argnums=())
def _sc_edge_pass(src2d, dst2d, asrc, adst, h, m16, znum, zden):
    mesh = plsc.VectorSubcoreMesh(core_axis_name="c", subcore_axis_name="s")
    cp = pltpu.CompilerParams()
    if "needs_layout_passes" in pltpu.CompilerParams.__dataclass_fields__:
        cp = dataclasses.replace(cp, needs_layout_passes=False)
    if "use_tc_tiling_on_sc" in pltpu.CompilerParams.__dataclass_fields__:
        cp = dataclasses.replace(cp, use_tc_tiling_on_sc=False)
    fn = pl.kernel(
        _sc_body,
        out_type=(
            jax.ShapeDtypeStruct((2, NPAD, 32), jnp.float32),
            jax.ShapeDtypeStruct((2, NPAD), jnp.float32),
        ),
        mesh=mesh,
        scratch_types=[
            pltpu.VMEM_SHARED((NPAD, 32), jnp.float32),
            pltpu.VMEM_SHARED((NPAD,), jnp.float32),
            pltpu.VMEM((NPAD,), jnp.float32),
            pltpu.VMEM((NPAD,), jnp.float32),
            pltpu.VMEM((NBLK, BLK), jnp.int32),
            pltpu.VMEM((NBLK, BLK), jnp.int32),
            pltpu.VMEM((BLK, 32), jnp.float32),
            pltpu.VMEM((BLK + 16,), jnp.float32),
            pltpu.VMEM((16,), jnp.float32),
            pltpu.SemaphoreType.DMA,
        ],
        compiler_params=cp,
    )
    return fn(src2d, dst2d, asrc, adst, h, m16, znum, zden)



def kernel(x, edge_index, W1, att_src1, att_dst1, b1, W2, att_src2, att_dst2,
           b2, Wc, bc):
    src = jnp.asarray(edge_index[0], jnp.int32)
    dst = jnp.asarray(edge_index[1], jnp.int32)
    npadE = EPAD - E
    pad_idx = N + (jnp.arange(npadE, dtype=jnp.int32) % 16)
    src2d = jnp.concatenate([src, pad_idx]).reshape(NW, NBLK, BLK)
    dst2d = jnp.concatenate([dst, pad_idx]).reshape(NW, NBLK, BLK)
    znum = jnp.zeros((ROWS_PER_TILE, 32), jnp.float32)
    zden = jnp.zeros((ROWS_PER_TILE,), jnp.float32)

    h1, asrc1, adst1, m1 = _tc_layer1(x, W1, att_src1, att_dst1)
    num1, den1 = _sc_edge_pass(src2d, dst2d, asrc1, adst1, h1,
                               m1[0, :16], znum, zden)
    h2, asrc2, adst2, m2 = _tc_layer2(num1, den1, h1, asrc1, adst1, m1, b1,
                                      W2, att_src2, att_dst2)
    num2, den2 = _sc_edge_pass(src2d, dst2d, asrc2, adst2, h2,
                               m2[0, :16], znum, zden)
    return _tc_final(num2, den2, h2, asrc2, adst2, m2, b2, Wc, bc)

# --- scband reference (transcript-rebuilt; emitter-appended) ---
"""Pipeline reference for scband-zero-prob-branch-50337016709814 (READ-ONLY COPY).

The authoritative reference and input builder live on the scoring server;
editing this copy changes nothing except your own understanding.
"""

import jax, jax.numpy as jnp
import numpy as np

N_NODES = 10000
N_EDGES = 320000
D_IN = 128
H1 = 32
H2 = 32
D_OUT = 32


def setup_inputs(seed: int = 0) -> dict:
    key = jax.random.key(seed)
    ks = jax.random.split(key, 12)
    x = jax.random.normal(ks[0], (N_NODES, D_IN), dtype=jnp.float32)
    edge_index = jax.random.randint(ks[1], (2, N_EDGES), 0, N_NODES, dtype=jnp.int64)
    def glorot(k, shape):
        fan_in, fan_out = shape[0], shape[-1]
        lim = jnp.sqrt(6.0 / (fan_in + fan_out))
        return jax.random.uniform(k, shape, dtype=jnp.float32, minval=-lim, maxval=lim)
    W1 = glorot(ks[2], (D_IN, H1))
    att_src1 = glorot(ks[3], (H1,))
    att_dst1 = glorot(ks[4], (H1,))
    b1 = jnp.zeros((H1,), dtype=jnp.float32)
    W2 = glorot(ks[5], (H1, H2))
    att_src2 = glorot(ks[6], (H2,))
    att_dst2 = glorot(ks[7], (H2,))
    b2 = jnp.zeros((H2,), dtype=jnp.float32)
    Wc = glorot(ks[8], (H2, D_OUT))
    bc = jnp.zeros((D_OUT,), dtype=jnp.float32)
    return {"x": x, "edge_index": edge_index,
            "W1": W1, "att_src1": att_src1, "att_dst1": att_dst1, "b1": b1,
            "W2": W2, "att_src2": att_src2, "att_dst2": att_dst2, "b2": b2,
            "Wc": Wc, "bc": bc}


def _gat_layer(x, src, dst, W, att_src, att_dst, bias, n_nodes):
    # GATConv (heads=1, PyG semantics, self-loops pre-appended, dropout off/eval)
    h = x @ W                              # [N, F]
    a_src = (h * att_src).sum(-1)          # [N]
    a_dst = (h * att_dst).sum(-1)          # [N]
    e = a_src[src] + a_dst[dst]            # [E']
    e = jax.nn.leaky_relu(e, negative_slope=0.2)
    e_max = jax.ops.segment_max(e, dst, num_segments=n_nodes)
    e_max = jnp.where(jnp.isfinite(e_max), e_max, 0.0)
    ex = jnp.exp(e - e_max[dst])
    denom = jax.ops.segment_sum(ex, dst, num_segments=n_nodes)
    alpha = ex / (denom[dst] + 1e-16)      # softmax over incoming edges per dst
    out = jax.ops.segment_sum(alpha[:, None] * h[src], dst, num_segments=n_nodes)
    return out + bias


def reference(x, edge_index, W1, att_src1, att_dst1, b1, W2, att_src2, att_dst2, b2, Wc, bc):
    n = x.shape[0]
    loop = jnp.arange(n, dtype=edge_index.dtype)
    src = jnp.concatenate([edge_index[0], loop])
    dst = jnp.concatenate([edge_index[1], loop])
    h = _gat_layer(x, src, dst, W1, att_src1, att_dst1, b1, n)
    h = jax.nn.relu(h)
    h = _gat_layer(h, src, dst, W2, att_src2, att_dst2, b2, n)
    h = jax.nn.relu(h)
    logits = h @ Wc + bc
    return jax.nn.sigmoid(logits)

if __name__ == "__main__":
    import jax
    _d = setup_inputs()
    print(jax.jit(kernel)(*tuple(_d.values())))

</pallas_src>

<mosaic_0001>
#map = affine_map<(d0, d1) -> (0, 0, 0)>
#map1 = affine_map<(d0, d1) -> (0)>
#map2 = affine_map<(d0, d1) -> (0, 0)>
module attributes {stable_mosaic.version = 14 : i64} {
  func.func @_sc_body(%arg0: i32, %arg1: i32, %arg2: memref<32x79x128xi32, #tpu.memory_space<hbm>>, %arg3: memref<32x79x128xi32, #tpu.memory_space<hbm>>, %arg4: memref<10240xf32, #tpu.memory_space<hbm>>, %arg5: memref<10240xf32, #tpu.memory_space<hbm>>, %arg6: memref<10240x32xf32, #tpu.memory_space<hbm>>, %arg7: memref<16xf32, #tpu.memory_space<hbm>>, %arg8: memref<640x32xf32, #tpu.memory_space<hbm>>, %arg9: memref<640xf32, #tpu.memory_space<hbm>>, %arg10: memref<2x10240x32xf32, #tpu.memory_space<hbm>>, %arg11: memref<2x10240xf32, #tpu.memory_space<hbm>>, %arg12: memref<10240x32xf32, #tpu.memory_space<vmem_shared>>, %arg13: memref<10240xf32, #tpu.memory_space<vmem_shared>>, %arg14: memref<10240xf32, #tpu.memory_space<vmem>>, %arg15: memref<10240xf32, #tpu.memory_space<vmem>>, %arg16: memref<79x128xi32, #tpu.memory_space<vmem>>, %arg17: memref<79x128xi32, #tpu.memory_space<vmem>>, %arg18: memref<128x32xf32, #tpu.memory_space<vmem>>, %arg19: memref<144xf32, #tpu.memory_space<vmem>>, %arg20: memref<16xf32, #tpu.memory_space<vmem>>, %arg21: memref<!tpu.dma_semaphore, #tpu.memory_space<semaphore_mem>>) attributes {dimension_semantics = [#tpu.dimension_semantics<core_parallel>, #tpu.dimension_semantics<subcore_parallel>], iteration_bounds = array<i64: 2, 16>, scalar_prefetch = 0 : i64, scratch_operands = 10 : i64, tpu.core_type = #tpu.core_type<sc_vector_subcore>, window_params = [{transform_indices = #map}, {transform_indices = #map}, {transform_indices = #map1}, {transform_indices = #map1}, {transform_indices = #map2}, {transform_indices = #map1}, {transform_indices = #map2}, {transform_indices = #map1}, {transform_indices = #map}, {transform_indices = #map2}]} {
    %mul3A = arith.constant 16 : i32
    %mul3A_0 = arith.muli %arg0, %mul3A : i32
    %add3A = arith.addi %mul3A_0, %arg1 : i32
    "tpu.region"() ({
      %run_scoped3A = tpu.sem_alloc : memref<!tpu.dma_semaphore, #tpu.memory_space<semaphore_mem>>
      tpu.enqueue_dma source(%arg4 : memref<10240xf32, #tpu.memory_space<hbm>>) target(%arg14 : memref<10240xf32, #tpu.memory_space<vmem>>) target_semaphore(%run_scoped3A : memref<!tpu.dma_semaphore, #tpu.memory_space<semaphore_mem>>)
      tpu.wait_dma2 semaphore(%run_scoped3A : memref<!tpu.dma_semaphore, #tpu.memory_space<semaphore_mem>>) src(%arg4 : memref<10240xf32, #tpu.memory_space<hbm>>) dst(%arg14 : memref<10240xf32, #tpu.memory_space<vmem>>)
      tpu.yield
    }) : () -> ()
    "tpu.region"() ({
      %run_scoped3A = tpu.sem_alloc : memref<!tpu.dma_semaphore, #tpu.memory_space<semaphore_mem>>
      tpu.enqueue_dma source(%arg5 : memref<10240xf32, #tpu.memory_space<hbm>>) target(%arg15 : memref<10240xf32, #tpu.memory_space<vmem>>) target_semaphore(%run_scoped3A : memref<!tpu.dma_semaphore, #tpu.memory_space<semaphore_mem>>)
      tpu.wait_dma2 semaphore(%run_scoped3A : memref<!tpu.dma_semaphore, #tpu.memory_space<semaphore_mem>>) src(%arg5 : memref<10240xf32, #tpu.memory_space<hbm>>) dst(%arg15 : memref<10240xf32, #tpu.memory_space<vmem>>)
      tpu.yield
    }) : () -> ()
    "tpu.region"() ({
      %run_scoped3A = tpu.sem_alloc : memref<!tpu.dma_semaphore, #tpu.memory_space<semaphore_mem>>
      %dma_start3A = arith.constant 0 : i32
      %dma_start3A_13 = arith.constant 0 : i32
      %dma_start3A_14 = tpu.memref_slice %arg2[%add3A, %dma_start3A, %dma_start3A_13] : memref<32x79x128xi32, #tpu.memory_space<hbm>> -> memref<1x79x128xi32, #tpu.memory_space<hbm>>
      %dma_start3A_15 = tpu.memref_squeeze %dma_start3A_14 : memref<1x79x128xi32, #tpu.memory_space<hbm>> -> memref<79x128xi32, #tpu.memory_space<hbm>>
      %dma_start3A_16 = arith.constant 0 : i32
      %dma_start3A_17 = arith.constant 0 : i32
      %dma_start3A_18 = tpu.memref_slice %arg2[%add3A, %dma_start3A_16, %dma_start3A_17] : memref<32x79x128xi32, #tpu.memory_space<hbm>> -> memref<1x79x128xi32, #tpu.memory_space<hbm>>
      %dma_start3A_19 = tpu.memref_squeeze %dma_start3A_18 : memref<1x79x128xi32, #tpu.memory_space<hbm>> -> memref<79x128xi32, #tpu.memory_space<hbm>>
      tpu.enqueue_dma source(%dma_start3A_19 : memref<79x128xi32, #tpu.memory_space<hbm>>) target(%arg16 : memref<79x128xi32, #tpu.memory_space<vmem>>) target_semaphore(%run_scoped3A : memref<!tpu.dma_semaphore, #tpu.memory_space<semaphore_mem>>)
      %dma_wait3A = arith.constant 0 : i32
      %dma_wait3A_20 = arith.constant 0 : i32
      %dma_wait3A_21 = tpu.memref_slice %arg2[%add3A, %dma_wait3A, %dma_wait3A_20] : memref<32x79x128xi32, #tpu.memory_space<hbm>> -> memref<1x79x128xi32, #tpu.memory_space<hbm>>
      %dma_wait3A_22 = tpu.memref_squeeze %dma_wait3A_21 : memref<1x79x128xi32, #tpu.memory_space<hbm>> -> memref<79x128xi32, #tpu.memory_space<hbm>>
      %dma_wait3A_23 = arith.constant 0 : i32
      %dma_wait3A_24 = arith.constant 0 : i32
      %dma_wait3A_25 = tpu.memref_slice %arg2[%add3A, %dma_wait3A_23, %dma_wait3A_24] : memref<32x79x128xi32, #tpu.memory_space<hbm>> -> memref<1x79x128xi32, #tpu.memory_space<hbm>>
      %dma_wait3A_26 = tpu.memref_squeeze %dma_wait3A_25 : memref<1x79x128xi32, #tpu.memory_space<hbm>> -> memref<79x128xi32, #tpu.memory_space<hbm>>
      tpu.wait_dma2 semaphore(%run_scoped3A : memref<!tpu.dma_semaphore, #tpu.memory_space<semaphore_mem>>) src(%dma_wait3A_26 : memref<79x128xi32, #tpu.memory_space<hbm>>) dst(%arg16 : memref<79x128xi32, #tpu.memory_space<vmem>>)
      tpu.yield
    }) : () -> ()
    "tpu.region"() ({
      %run_scoped3A = tpu.sem_alloc : memref<!tpu.dma_semaphore, #tpu.memory_space<semaphore_mem>>
      %dma_start3A = arith.constant 0 : i32
      %dma_start3A_13 = arith.constant 0 : i32
      %dma_start3A_14 = tpu.memref_slice %arg3[%add3A, %dma_start3A, %dma_start3A_13] : memref<32x79x128xi32, #tpu.memory_space<hbm>> -> memref<1x79x128xi32, #tpu.memory_space<hbm>>
      %dma_start3A_15 = tpu.memref_squeeze %dma_start3A_14 : memref<1x79x128xi32, #tpu.memory_space<hbm>> -> memref<79x128xi32, #tpu.memory_space<hbm>>
      %dma_start3A_16 = arith.constant 0 : i32
      %dma_start3A_17 = arith.constant 0 : i32
      %dma_start3A_18 = tpu.memref_slice %arg3[%add3A, %dma_start3A_16, %dma_start3A_17] : memref<32x79x128xi32, #tpu.memory_space<hbm>> -> memref<1x79x128xi32, #tpu.memory_space<hbm>>
      %dma_start3A_19 = tpu.memref_squeeze %dma_start3A_18 : memref<1x79x128xi32, #tpu.memory_space<hbm>> -> memref<79x128xi32, #tpu.memory_space<hbm>>
      tpu.enqueue_dma source(%dma_start3A_19 : memref<79x128xi32, #tpu.memory_space<hbm>>) target(%arg17 : memref<79x128xi32, #tpu.memory_space<vmem>>) target_semaphore(%run_scoped3A : memref<!tpu.dma_semaphore, #tpu.memory_space<semaphore_mem>>)
      %dma_wait3A = arith.constant 0 : i32
      %dma_wait3A_20 = arith.constant 0 : i32
      %dma_wait3A_21 = tpu.memref_slice %arg3[%add3A, %dma_wait3A, %dma_wait3A_20] : memref<32x79x128xi32, #tpu.memory_space<hbm>> -> memref<1x79x128xi32, #tpu.memory_space<hbm>>
      %dma_wait3A_22 = tpu.memref_squeeze %dma_wait3A_21 : memref<1x79x128xi32, #tpu.memory_space<hbm>> -> memref<79x128xi32, #tpu.memory_space<hbm>>
      %dma_wait3A_23 = arith.constant 0 : i32
      %dma_wait3A_24 = arith.constant 0 : i32
      %dma_wait3A_25 = tpu.memref_slice %arg3[%add3A, %dma_wait3A_23, %dma_wait3A_24] : memref<32x79x128xi32, #tpu.memory_space<hbm>> -> memref<1x79x128xi32, #tpu.memory_space<hbm>>
      %dma_wait3A_26 = tpu.memref_squeeze %dma_wait3A_25 : memref<1x79x128xi32, #tpu.memory_space<hbm>> -> memref<79x128xi32, #tpu.memory_space<hbm>>
      tpu.wait_dma2 semaphore(%run_scoped3A : memref<!tpu.dma_semaphore, #tpu.memory_space<semaphore_mem>>) src(%dma_wait3A_26 : memref<79x128xi32, #tpu.memory_space<hbm>>) dst(%arg17 : memref<79x128xi32, #tpu.memory_space<vmem>>)
      tpu.yield
    }) : () -> ()
    "tpu.region"() ({
      %run_scoped3A = tpu.sem_alloc : memref<!tpu.dma_semaphore, #tpu.memory_space<semaphore_mem>>
      tpu.enqueue_dma source(%arg7 : memref<16xf32, #tpu.memory_space<hbm>>) target(%arg20 : memref<16xf32, #tpu.memory_space<vmem>>) target_semaphore(%run_scoped3A : memref<!tpu.dma_semaphore, #tpu.memory_space<semaphore_mem>>)
      tpu.wait_dma2 semaphore(%run_scoped3A : memref<!tpu.dma_semaphore, #tpu.memory_space<semaphore_mem>>) src(%arg7 : memref<16xf32, #tpu.memory_space<hbm>>) dst(%arg20 : memref<16xf32, #tpu.memory_space<vmem>>)
      tpu.yield
    }) : () -> ()
    %mul3A_1 = arith.constant 640 : i32
    %mul3A_2 = arith.muli %arg1, %mul3A_1 : i32
    "tpu.region"() ({
      %run_scoped3A = tpu.sem_alloc : memref<!tpu.dma_semaphore, #tpu.memory_space<semaphore_mem>>
      %dma_start3A = arith.constant 0 : i32
      %dma_start3A_13 = tpu.memref_slice %arg12[%mul3A_2, %dma_start3A] : memref<10240x32xf32, #tpu.memory_space<vmem_shared>> -> memref<640x32xf32, #tpu.memory_space<vmem_shared>>
      tpu.enqueue_dma source(%arg8 : memref<640x32xf32, #tpu.memory_space<hbm>>) target(%dma_start3A_13 : memref<640x32xf32, #tpu.memory_space<vmem_shared>>) target_semaphore(%run_scoped3A : memref<!tpu.dma_semaphore, #tpu.memory_space<semaphore_mem>>)
      %dma_wait3A = arith.constant 0 : i32
      %dma_wait3A_14 = tpu.memref_slice %arg12[%mul3A_2, %dma_wait3A] : memref<10240x32xf32, #tpu.memory_space<vmem_shared>> -> memref<640x32xf32, #tpu.memory_space<vmem_shared>>
      tpu.wait_dma2 semaphore(%run_scoped3A : memref<!tpu.dma_semaphore, #tpu.memory_space<semaphore_mem>>) src(%arg8 : memref<640x32xf32, #tpu.memory_space<hbm>>) dst(%dma_wait3A_14 : memref<640x32xf32, #tpu.memory_space<vmem_shared>>)
      tpu.yield
    }) : () -> ()
    %mul3A_3 = arith.constant 640 : i32
    %mul3A_4 = arith.muli %arg1, %mul3A_3 : i32
    "tpu.region"() ({
      %run_scoped3A = tpu.sem_alloc : memref<!tpu.dma_semaphore, #tpu.memory_space<semaphore_mem>>
      %dma_start3A = tpu.memref_slice %arg13[%mul3A_4] : memref<10240xf32, #tpu.memory_space<vmem_shared>> -> memref<640xf32, #tpu.memory_space<vmem_shared>>
      tpu.enqueue_dma source(%arg9 : memref<640xf32, #tpu.memory_space<hbm>>) target(%dma_start3A : memref<640xf32, #tpu.memory_space<vmem_shared>>) target_semaphore(%run_scoped3A : memref<!tpu.dma_semaphore, #tpu.memory_space<semaphore_mem>>)
      %dma_wait3A = tpu.memref_slice %arg13[%mul3A_4] : memref<10240xf32, #tpu.memory_space<vmem_shared>> -> memref<640xf32, #tpu.memory_space<vmem_shared>>
      tpu.wait_dma2 semaphore(%run_scoped3A : memref<!tpu.dma_semaphore, #tpu.memory_space<semaphore_mem>>) src(%arg9 : memref<640xf32, #tpu.memory_space<hbm>>) dst(%dma_wait3A : memref<640xf32, #tpu.memory_space<vmem_shared>>)
      tpu.yield
    }) : () -> ()
    %barrier3A = arith.constant 0 : index
    tpu.barrier barrier_id(%barrier3A)
    %get3A = arith.constant 0 : index
    %get3A_5 = tpu.vector_load %arg20[%get3A] {strides = array<i32>} : memref<16xf32, #tpu.memory_space<vmem>>, vector<16xf32>,
    %scan3A = arith.constant 0 : i32
    %scan3A_6 = arith.constant 79 : i32
    %scan3A_7 = arith.addi %scan3A, %scan3A_6 : i32
    %scan3A_8 = arith.constant 1 : i32
    scf.for %scan3A_13 = %scan3A to %scan3A_7 step %scan3A_8  : i32 {
      %mul3A_14 = arith.constant 1 : i32
      %mul3A_15 = arith.muli %scan3A_13, %mul3A_14 : i32
      %add3A_16 = arith.constant 0 : i32
      %add3A_17 = arith.addi %add3A_16, %mul3A_15 : i32
      %dma_start3A = arith.constant 0 : i32
      %dma_start3A_18 = tpu.memref_slice %arg16[%add3A_17, %dma_start3A] : memref<79x128xi32, #tpu.memory_space<vmem>> -> memref<1x128xi32, #tpu.memory_space<vmem>>
      %dma_start3A_19 = tpu.memref_squeeze %dma_start3A_18 : memref<1x128xi32, #tpu.memory_space<vmem>> -> memref<128xi32, #tpu.memory_space<vmem>>
      %dma_start3A_20 = arith.constant 0 : i32
      %dma_start3A_21 = arith.constant 0 : i32
      %dma_start3A_22 = tpu.memref_slice %arg6[%dma_start3A_20, %dma_start3A_21] : memref<10240x32xf32, #tpu.memory_space<hbm>> -> memref<10240x32xf32, #tpu.memory_space<hbm>>
      tpu.enqueue_indirect_dma source(%dma_start3A_22 : memref<10240x32xf32, #tpu.memory_space<hbm>>) target(%arg18 : memref<128x32xf32, #tpu.memory_space<vmem>>) offsets(%dma_start3A_19 : memref<128xi32, #tpu.memory_space<vmem>>) semaphore(%arg21 : memref<!tpu.dma_semaphore, #tpu.memory_space<semaphore_mem>>)
      %get3A_23 = arith.index_cast %add3A_17 : i32 to index
      %get3A_24 = arith.constant 0 : index
      %get3A_25 = tpu.vector_load %arg16[%get3A_23, %get3A_24] {strides = array<i32>} : memref<79x128xi32, #tpu.memory_space<vmem>>, vector<16xi32>,
      %get3A_26 = arith.index_cast %add3A_17 : i32 to index
      %get3A_27 = arith.constant 0 : index
      %get3A_28 = tpu.vector_load %arg17[%get3A_26, %get3A_27] {strides = array<i32>} : memref<79x128xi32, #tpu.memory_space<vmem>>, vector<16xi32>,
      %gather3A = tpu.vector_load_idx %arg14[%get3A_25] : memref<10240xf32, #tpu.memory_space<vmem>>[vector<16xi32>], vector<16xf32>,
      %gather3A_29 = tpu.vector_load_idx %arg15[%get3A_28] : memref<10240xf32, #tpu.memory_space<vmem>>[vector<16xi32>], vector<16xf32>,
      %add3A_30 = arith.addf %gather3A, %gather3A_29 : vector<16xf32>
      %mul3A_31 = arith.constant 2.000000e-01 : f32
      %mul3A_32 = vector.broadcast %mul3A_31 : f32 to vector<16xf32>
      %mul3A_33 = arith.mulf %mul3A_32, %add3A_30 : vector<16xf32>
      %max3A = arith.maximumf %add3A_30, %mul3A_33 : vector<16xf32>
      %sub3A = arith.subf %max3A, %get3A_5 : vector<16xf32>
      %exp3A = math.exp %sub3A : vector<16xf32>
      %swap3A = arith.constant 0 : index
      %swap3A_34 = tpu.vector_load %arg19[%swap3A] {strides = array<i32>} : memref<144xf32, #tpu.memory_space<vmem>>, vector<16xf32>,
      tpu.vector_store %arg19[%swap3A], %exp3A {strides = array<i32>} : memref<144xf32, #tpu.memory_space<vmem>>, vector<16xf32>,
      %get3A_35 = arith.index_cast %add3A_17 : i32 to index
      %get3A_36 = arith.constant 16 : index
      %get3A_37 = tpu.vector_load %arg16[%get3A_35, %get3A_36] {strides = array<i32>} : memref<79x128xi32, #tpu.memory_space<vmem>>, vector<16xi32>,
      %get3A_38 = arith.index_cast %add3A_17 : i32 to index
      %get3A_39 = arith.constant 16 : index
      %get3A_40 = tpu.vector_load %arg17[%get3A_38, %get3A_39] {strides = array<i32>} : memref<79x128xi32, #tpu.memory_space<vmem>>, vector<16xi32>,
      %gather3A_41 = tpu.vector_load_idx %arg14[%get3A_37] : memref<10240xf32, #tpu.memory_space<vmem>>[vector<16xi32>], vector<16xf32>,
      %gather3A_42 = tpu.vector_load_idx %arg15[%get3A_40] : memref<10240xf32, #tpu.memory_space<vmem>>[vector<16xi32>], vector<16xf32>,
      %add3A_43 = arith.addf %gather3A_41, %gather3A_42 : vector<16xf32>
      %mul3A_44 = arith.constant 2.000000e-01 : f32
      %mul3A_45 = vector.broadcast %mul3A_44 : f32 to vector<16xf32>
      %mul3A_46 = arith.mulf %mul3A_45, %add3A_43 : vector<16xf32>
      %max3A_47 = arith.maximumf %add3A_43, %mul3A_46 : vector<16xf32>
      %sub3A_48 = arith.subf %max3A_47, %get3A_5 : vector<16xf32>
      %exp3A_49 = math.exp %sub3A_48 : vector<16xf32>
      %swap3A_50 = arith.constant 16 : index
      %swap3A_51 = tpu.vector_load %arg19[%swap3A_50] {strides = array<i32>} : memref<144xf32, #tpu.memory_space<vmem>>, vector<16xf32>,
      tpu.vector_store %arg19[%swap3A_50], %exp3A_49 {strides = array<i32>} : memref<144xf32, #tpu.memory_space<vmem>>, vector<16xf32>,
      %get3A_52 = arith.index_cast %add3A_17 : i32 to index
      %get3A_53 = arith.constant 32 : index
      %get3A_54 = tpu.vector_load %arg16[%get3A_52, %get3A_53] {strides = array<i32>} : memref<79x128xi32, #tpu.memory_space<vmem>>, vector<16xi32>,
      %get3A_55 = arith.index_cast %add3A_17 : i32 to index
      %get3A_56 = arith.constant 32 : index
      %get3A_57 = tpu.vector_load %arg17[%get3A_55, %get3A_56] {strides = array<i32>} : memref<79x128xi32, #tpu.memory_space<vmem>>, vector<16xi32>,
      %gather3A_58 = tpu.vector_load_idx %arg14[%get3A_54] : memref<10240xf32, #tpu.memory_space<vmem>>[vector<16xi32>], vector<16xf32>,
      %gather3A_59 = tpu.vector_load_idx %arg15[%get3A_57] : memref<10240xf32, #tpu.memory_space<vmem>>[vector<16xi32>], vector<16xf32>,
      %add3A_60 = arith.addf %gather3A_58, %gather3A_59 : vector<16xf32>
      %mul3A_61 = arith.constant 2.000000e-01 : f32
      %mul3A_62 = vector.broadcast %mul3A_61 : f32 to vector<16xf32>
      %mul3A_63 = arith.mulf %mul3A_62, %add3A_60 : vector<16xf32>
      %max3A_64 = arith.maximumf %add3A_60, %mul3A_63 : vector<16xf32>
      %sub3A_65 = arith.subf %max3A_64, %get3A_5 : vector<16xf32>
      %exp3A_66 = math.exp %sub3A_65 : vector<16xf32>
      %swap3A_67 = arith.constant 32 : index
      %swap3A_68 = tpu.vector_load %arg19[%swap3A_67] {strides = array<i32>} : memref<144xf32, #tpu.memory_space<vmem>>, vector<16xf32>,
      tpu.vector_store %arg19[%swap3A_67], %exp3A_66 {strides = array<i32>} : memref<144xf32, #tpu.memory_space<vmem>>, vector<16xf32>,
      %get3A_69 = arith.index_cast %add3A_17 : i32 to index
      %get3A_70 = arith.constant 48 : index
      %get3A_71 = tpu.vector_load %arg16[%get3A_69, %get3A_70] {strides = array<i32>} : memref<79x128xi32, #tpu.memory_space<vmem>>, vector<16xi32>,
      %get3A_72 = arith.index_cast %add3A_17 : i32 to index
      %get3A_73 = arith.constant 48 : index
      %get3A_74 = tpu.vector_load %arg17[%get3A_72, %get3A_73] {strides = array<i32>} : memref<79x128xi32, #tpu.memory_space<vmem>>, vector<16xi32>,
      %gather3A_75 = tpu.vector_load_idx %arg14[%get3A_71] : memref<10240xf32, #tpu.memory_space<vmem>>[vector<16xi32>], vector<16xf32>,
      %gather3A_76 = tpu.vector_load_idx %arg15[%get3A_74] : memref<10240xf32, #tpu.memory_space<vmem>>[vector<16xi32>], vector<16xf32>,
      %add3A_77 = arith.addf %gather3A_75, %gather3A_76 : vector<16xf32>
      %mul3A_78 = arith.constant 2.000000e-01 : f32
      %mul3A_79 = vector.broadcast %mul3A_78 : f32 to vector<16xf32>
      %mul3A_80 = arith.mulf %mul3A_79, %add3A_77 : vector<16xf32>
      %max3A_81 = arith.maximumf %add3A_77, %mul3A_80 : vector<16xf32>
      %sub3A_82 = arith.subf %max3A_81, %get3A_5 : vector<16xf32>
      %exp3A_83 = math.exp %sub3A_82 : vector<16xf32>
      %swap3A_84 = arith.constant 48 : index
      %swap3A_85 = tpu.vector_load %arg19[%swap3A_84] {strides = array<i32>} : memref<144xf32, #tpu.memory_space<vmem>>, vector<16xf32>,
      tpu.vector_store %arg19[%swap3A_84], %exp3A_83 {strides = array<i32>} : memref<144xf32, #tpu.memory_space<vmem>>, vector<16xf32>,
      %get3A_86 = arith.index_cast %add3A_17 : i32 to index
      %get3A_87 = arith.constant 64 : index
      %get3A_88 = tpu.vector_load %arg16[%get3A_86, %get3A_87] {strides = array<i32>} : memref<79x128xi32, #tpu.memory_space<vmem>>, vector<16xi32>,
      %get3A_89 = arith.index_cast %add3A_17 : i32 to index
      %get3A_90 = arith.constant 64 : index
      %get3A_91 = tpu.vector_load %arg17[%get3A_89, %get3A_90] {strides = array<i32>} : memref<79x128xi32, #tpu.memory_space<vmem>>, vector<16xi32>,
      %gather3A_92 = tpu.vector_load_idx %arg14[%get3A_88] : memref<10240xf32, #tpu.memory_space<vmem>>[vector<16xi32>], vector<16xf32>,
      %gather3A_93 = tpu.vector_load_idx %arg15[%get3A_91] : memref<10240xf32, #tpu.memory_space<vmem>>[vector<16xi32>], vector<16xf32>,
      %add3A_94 = arith.addf %gather3A_92, %gather3A_93 : vector<16xf32>
      %mul3A_95 = arith.constant 2.000000e-01 : f32
      %mul3A_96 = vector.broadcast %mul3A_95 : f32 to vector<16xf32>
      %mul3A_97 = arith.mulf %mul3A_96, %add3A_94 : vector<16xf32>
      %max3A_98 = arith.maximumf %add3A_94, %mul3A_97 : vector<16xf32>
      %sub3A_99 = arith.subf %max3A_98, %get3A_5 : vector<16xf32>
      %exp3A_100 = math.exp %sub3A_99 : vector<16xf32>
      %swap3A_101 = arith.constant 64 : index
      %swap3A_102 = tpu.vector_load %arg19[%swap3A_101] {strides = array<i32>} : memref<144xf32, #tpu.memory_space<vmem>>, vector<16xf32>,
      tpu.vector_store %arg19[%swap3A_101], %exp3A_100 {strides = array<i32>} : memref<144xf32, #tpu.memory_space<vmem>>, vector<16xf32>,
      %get3A_103 = arith.index_cast %add3A_17 : i32 to index
      %get3A_104 = arith.constant 80 : index
      %get3A_105 = tpu.vector_load %arg16[%get3A_103, %get3A_104] {strides = array<i32>} : memref<79x128xi32, #tpu.memory_space<vmem>>, vector<16xi32>,
      %get3A_106 = arith.index_cast %add3A_17 : i32 to index
      %get3A_107 = arith.constant 80 : index
      %get3A_108 = tpu.vector_load %arg17[%get3A_106, %get3A_107] {strides = array<i32>} : memref<79x128xi32, #tpu.memory_space<vmem>>, vector<16xi32>,
      %gather3A_109 = tpu.vector_load_idx %arg14[%get3A_105] : memref<10240xf32, #tpu.memory_space<vmem>>[vector<16xi32>], vector<16xf32>,
      %gather3A_110 = tpu.vector_load_idx %arg15[%get3A_108] : memref<10240xf32, #tpu.memory_space<vmem>>[vector<16xi32>], vector<16xf32>,
      %add3A_111 = arith.addf %gather3A_109, %gather3A_110 : vector<16xf32>
      %mul3A_112 = arith.constant 2.000000e-01 : f32
      %mul3A_113 = vector.broadcast %mul3A_112 : f32 to vector<16xf32>
      %mul3A_114 = arith.mulf %mul3A_113, %add3A_111 : vector<16xf32>
      %max3A_115 = arith.maximumf %add3A_111, %mul3A_114 : vector<16xf32>
      %sub3A_116 = arith.subf %max3A_115, %get3A_5 : vector<16xf32>
      %exp3A_117 = math.exp %sub3A_116 : vector<16xf32>
      %swap3A_118 = arith.constant 80 : index
      %swap3A_119 = tpu.vector_load %arg19[%swap3A_118] {strides = array<i32>} : memref<144xf32, #tpu.memory_space<vmem>>, vector<16xf32>,
      tpu.vector_store %arg19[%swap3A_118], %exp3A_117 {strides = array<i32>} : memref<144xf32, #tpu.memory_space<vmem>>, vector<16xf32>,
      %get3A_120 = arith.index_cast %add3A_17 : i32 to index
      %get3A_121 = arith.constant 96 : index
      %get3A_122 = tpu.vector_load %arg16[%get3A_120, %get3A_121] {strides = array<i32>} : memref<79x128xi32, #tpu.memory_space<vmem>>, vector<16xi32>,
      %get3A_123 = arith.index_cast %add3A_17 : i32 to index
      %get3A_124 = arith.constant 96 : index
      %get3A_125 = tpu.vector_load %arg17[%get3A_123, %get3A_124] {strides = array<i32>} : memref<79x128xi32, #tpu.memory_space<vmem>>, vector<16xi32>,
      %gather3A_126 = tpu.vector_load_idx %arg14[%get3A_122] : memref<10240xf32, #tpu.memory_space<vmem>>[vector<16xi32>], vector<16xf32>,
      %gather3A_127 = tpu.vector_load_idx %arg15[%get3A_125] : memref<10240xf32, #tpu.memory_space<vmem>>[vector<16xi32>], vector<16xf32>,
      %add3A_128 = arith.addf %gather3A_126, %gather3A_127 : vector<16xf32>
      %mul3A_129 = arith.constant 2.000000e-01 : f32
      %mul3A_130 = vector.broadcast %mul3A_129 : f32 to vector<16xf32>
      %mul3A_131 = arith.mulf %mul3A_130, %add3A_128 : vector<16xf32>
      %max3A_132 = arith.maximumf %add3A_128, %mul3A_131 : vector<16xf32>
      %sub3A_133 = arith.subf %max3A_132, %get3A_5 : vector<16xf32>
      %exp3A_134 = math.exp %sub3A_133 : vector<16xf32>
      %swap3A_135 = arith.constant 96 : index
      %swap3A_136 = tpu.vector_load %arg19[%swap3A_135] {strides = array<i32>} : memref<144xf32, #tpu.memory_space<vmem>>, vector<16xf32>,
      tpu.vector_store %arg19[%swap3A_135], %exp3A_134 {strides = array<i32>} : memref<144xf32, #tpu.memory_space<vmem>>, vector<16xf32>,
      %get3A_137 = arith.index_cast %add3A_17 : i32 to index
      %get3A_138 = arith.constant 112 : index
      %get3A_139 = tpu.vector_load %arg16[%get3A_137, %get3A_138] {strides = array<i32>} : memref<79x128xi32, #tpu.memory_space<vmem>>, vector<16xi32>,
      %get3A_140 = arith.index_cast %add3A_17 : i32 to index
      %get3A_141 = arith.constant 112 : index
      %get3A_142 = tpu.vector_load %arg17[%get3A_140, %get3A_141] {strides = array<i32>} : memref<79x128xi32, #tpu.memory_space<vmem>>, vector<16xi32>,
      %gather3A_143 = tpu.vector_load_idx %arg14[%get3A_139] : memref<10240xf32, #tpu.memory_space<vmem>>[vector<16xi32>], vector<16xf32>,
      %gather3A_144 = tpu.vector_load_idx %arg15[%get3A_142] : memref<10240xf32, #tpu.memory_space<vmem>>[vector<16xi32>], vector<16xf32>,
      %add3A_145 = arith.addf %gather3A_143, %gather3A_144 : vector<16xf32>
      %mul3A_146 = arith.constant 2.000000e-01 : f32
      %mul3A_147 = vector.broadcast %mul3A_146 : f32 to vector<16xf32>
      %mul3A_148 = arith.mulf %mul3A_147, %add3A_145 : vector<16xf32>
      %max3A_149 = arith.maximumf %add3A_145, %mul3A_148 : vector<16xf32>
      %sub3A_150 = arith.subf %max3A_149, %get3A_5 : vector<16xf32>
      %exp3A_151 = math.exp %sub3A_150 : vector<16xf32>
      %swap3A_152 = arith.constant 112 : index
      %swap3A_153 = tpu.vector_load %arg19[%swap3A_152] {strides = array<i32>} : memref<144xf32, #tpu.memory_space<vmem>>, vector<16xf32>,
      tpu.vector_store %arg19[%swap3A_152], %exp3A_151 {strides = array<i32>} : memref<144xf32, #tpu.memory_space<vmem>>, vector<16xf32>,
      %dma_wait3A = arith.constant 0 : i32
      %dma_wait3A_154 = tpu.memref_slice %arg16[%add3A_17, %dma_wait3A] : memref<79x128xi32, #tpu.memory_space<vmem>> -> memref<1x128xi32, #tpu.memory_space<vmem>>
      %dma_wait3A_155 = tpu.memref_squeeze %dma_wait3A_154 : memref<1x128xi32, #tpu.memory_space<vmem>> -> memref<128xi32, #tpu.memory_space<vmem>>
      %dma_wait3A_156 = arith.constant 0 : i32
      %dma_wait3A_157 = arith.constant 0 : i32
      %dma_wait3A_158 = tpu.memref_slice %arg6[%dma_wait3A_156, %dma_wait3A_157] : memref<10240x32xf32, #tpu.memory_space<hbm>> -> memref<10240x32xf32, #tpu.memory_space<hbm>>
      tpu.wait_indirect_dma semaphore(%arg21 : memref<!tpu.dma_semaphore, #tpu.memory_space<semaphore_mem>>) src(%dma_wait3A_158 : memref<10240x32xf32, #tpu.memory_space<hbm>>) dst(%arg18 : memref<128x32xf32, #tpu.memory_space<vmem>>)
      %scan3A_159 = arith.constant 0 : i32
      %scan3A_160 = arith.constant 128 : i32
      %scan3A_161 = arith.addi %scan3A_159, %scan3A_160 : i32
      %scan3A_162 = arith.constant 1 : i32
      scf.for %scan3A_164 = %scan3A_159 to %scan3A_161 step %scan3A_162  : i32 {
        %mul3A_165 = arith.constant 1 : i32
        %mul3A_166 = arith.muli %scan3A_164, %mul3A_165 : i32
        %add3A_167 = arith.constant 0 : i32
        %add3A_168 = arith.addi %add3A_167, %mul3A_166 : i32
        %get3A_169 = arith.index_cast %add3A_168 : i32 to index
        %get3A_170 = tpu.vector_load %arg19[%get3A_169] {strides = array<i32>} : memref<144xf32, #tpu.memory_space<vmem>>, vector<16xf32>,
        %slice3A = vector.extract_strided_slice %get3A_170 {offsets = [0], sizes = [1], strides = [1]} : vector<16xf32> to vector<1xf32>
        %squeeze3A = vector.extract %slice3A[0] : f32 from vector<1xf32>
        %get3A_171 = arith.index_cast %add3A_168 : i32 to index
        %get3A_172 = arith.constant 0 : index
        %get3A_173 = tpu.vector_load %arg18[%get3A_171, %get3A_172] {strides = array<i32>} : memref<128x32xf32, #tpu.memory_space<vmem>>, vector<16xf32>,
        %mul3A_174 = vector.broadcast %squeeze3A : f32 to vector<16xf32>
        %mul3A_175 = arith.mulf %get3A_173, %mul3A_174 : vector<16xf32>
        %swap3A_176 = arith.index_cast %add3A_168 : i32 to index
        %swap3A_177 = arith.constant 0 : index
        %swap3A_178 = tpu.vector_load %arg18[%swap3A_176, %swap3A_177] {strides = array<i32>} : memref<128x32xf32, #tpu.memory_space<vmem>>, vector<16xf32>,
        tpu.vector_store %arg18[%swap3A_176, %swap3A_177], %mul3A_175 {strides = array<i32>} : memref<128x32xf32, #tpu.memory_space<vmem>>, vector<16xf32>,
        %get3A_179 = arith.index_cast %add3A_168 : i32 to index
        %get3A_180 = arith.constant 16 : index
        %get3A_181 = tpu.vector_load %arg18[%get3A_179, %get3A_180] {strides = array<i32>} : memref<128x32xf32, #tpu.memory_space<vmem>>, vector<16xf32>,
        %mul3A_182 = vector.broadcast %squeeze3A : f32 to vector<16xf32>
        %mul3A_183 = arith.mulf %get3A_181, %mul3A_182 : vector<16xf32>
        %swap3A_184 = arith.index_cast %add3A_168 : i32 to index
        %swap3A_185 = arith.constant 16 : index
        %swap3A_186 = tpu.vector_load %arg18[%swap3A_184, %swap3A_185] {strides = array<i32>} : memref<128x32xf32, #tpu.memory_space<vmem>>, vector<16xf32>,
        tpu.vector_store %arg18[%swap3A_184, %swap3A_185], %mul3A_183 {strides = array<i32>} : memref<128x32xf32, #tpu.memory_space<vmem>>, vector<16xf32>,
      }
      %scan3A_163 = arith.constant 128 : i32
      "tpu.region"() ({
        %run_scoped3A = tpu.sem_alloc : memref<!tpu.dma_semaphore, #tpu.memory_space<semaphore_mem>>
        %dma_start3A_164 = arith.constant 0 : i32
        %dma_start3A_165 = tpu.memref_slice %arg17[%add3A_17, %dma_start3A_164] : memref<79x128xi32, #tpu.memory_space<vmem>> -> memref<1x128xi32, #tpu.memory_space<vmem>>
        %dma_start3A_166 = tpu.memref_squeeze %dma_start3A_165 : memref<1x128xi32, #tpu.memory_space<vmem>> -> memref<128xi32, #tpu.memory_space<vmem>>
        %dma_start3A_167 = arith.constant 0 : i32
        %dma_start3A_168 = arith.constant 0 : i32
        %dma_start3A_169 = tpu.memref_slice %arg12[%dma_start3A_167, %dma_start3A_168] : memref<10240x32xf32, #tpu.memory_space<vmem_shared>> -> memref<10240x32xf32, #tpu.memory_space<vmem_shared>>
        tpu.enqueue_indirect_dma source(%arg18 : memref<128x32xf32, #tpu.memory_space<vmem>>) target(%dma_start3A_169 : memref<10240x32xf32, #tpu.memory_space<vmem_shared>>) offsets(%dma_start3A_166 : memref<128xi32, #tpu.memory_space<vmem>>) semaphore(%run_scoped3A : memref<!tpu.dma_semaphore, #tpu.memory_space<semaphore_mem>>) {add = true}
        %dma_wait3A_170 = arith.constant 0 : i32
        %dma_wait3A_171 = tpu.memref_slice %arg17[%add3A_17, %dma_wait3A_170] : memref<79x128xi32, #tpu.memory_space<vmem>> -> memref<1x128xi32, #tpu.memory_space<vmem>>
        %dma_wait3A_172 = tpu.memref_squeeze %dma_wait3A_171 : memref<1x128xi32, #tpu.memory_space<vmem>> -> memref<128xi32, #tpu.memory_space<vmem>>
        %dma_wait3A_173 = arith.constant 0 : i32
        %dma_wait3A_174 = arith.constant 0 : i32
        %dma_wait3A_175 = tpu.memref_slice %arg12[%dma_wait3A_173, %dma_wait3A_174] : memref<10240x32xf32, #tpu.memory_space<vmem_shared>> -> memref<10240x32xf32, #tpu.memory_space<vmem_shared>>
        tpu.wait_indirect_dma semaphore(%run_scoped3A : memref<!tpu.dma_semaphore, #tpu.memory_space<semaphore_mem>>) src(%arg18 : memref<128x32xf32, #tpu.memory_space<vmem>>) dst(%dma_wait3A_175 : memref<10240x32xf32, #tpu.memory_space<vmem_shared>>)
        tpu.yield
      }) : () -> ()
      "tpu.region"() ({
        %run_scoped3A = tpu.sem_alloc : memref<!tpu.dma_semaphore, #tpu.memory_space<semaphore_mem>>
        %dma_start3A_164 = arith.constant 0 : i32
        %dma_start3A_165 = tpu.memref_slice %arg19[%dma_start3A_164] : memref<144xf32, #tpu.memory_space<vmem>> -> memref<128xf32, #tpu.memory_space<vmem>>
        %dma_start3A_166 = arith.constant 0 : i32
        %dma_start3A_167 = tpu.memref_slice %arg17[%add3A_17, %dma_start3A_166] : memref<79x128xi32, #tpu.memory_space<vmem>> -> memref<1x128xi32, #tpu.memory_space<vmem>>
        %dma_start3A_168 = tpu.memref_squeeze %dma_start3A_167 : memref<1x128xi32, #tpu.memory_space<vmem>> -> memref<128xi32, #tpu.memory_space<vmem>>
        %dma_start3A_169 = arith.constant 0 : i32
        %dma_start3A_170 = tpu.memref_slice %arg13[%dma_start3A_169] : memref<10240xf32, #tpu.memory_space<vmem_shared>> -> memref<10240xf32, #tpu.memory_space<vmem_shared>>
        tpu.enqueue_indirect_dma source(%dma_start3A_165 : memref<128xf32, #tpu.memory_space<vmem>>) target(%dma_start3A_170 : memref<10240xf32, #tpu.memory_space<vmem_shared>>) offsets(%dma_start3A_168 : memref<128xi32, #tpu.memory_space<vmem>>) semaphore(%run_scoped3A : memref<!tpu.dma_semaphore, #tpu.memory_space<semaphore_mem>>) {add = true}
        %dma_wait3A_171 = arith.constant 0 : i32
        %dma_wait3A_172 = tpu.memref_slice %arg19[%dma_wait3A_171] : memref<144xf32, #tpu.memory_space<vmem>> -> memref<128xf32, #tpu.memory_space<vmem>>
        %dma_wait3A_173 = arith.constant 0 : i32
        %dma_wait3A_174 = tpu.memref_slice %arg17[%add3A_17, %dma_wait3A_173] : memref<79x128xi32, #tpu.memory_space<vmem>> -> memref<1x128xi32, #tpu.memory_space<vmem>>
        %dma_wait3A_175 = tpu.memref_squeeze %dma_wait3A_174 : memref<1x128xi32, #tpu.memory_space<vmem>> -> memref<128xi32, #tpu.memory_space<vmem>>
        %dma_wait3A_176 = arith.constant 0 : i32
        %dma_wait3A_177 = tpu.memref_slice %arg13[%dma_wait3A_176] : memref<10240xf32, #tpu.memory_space<vmem_shared>> -> memref<10240xf32, #tpu.memory_space<vmem_shared>>
        tpu.wait_indirect_dma semaphore(%run_scoped3A : memref<!tpu.dma_semaphore, #tpu.memory_space<semaphore_mem>>) src(%dma_wait3A_172 : memref<128xf32, #tpu.memory_space<vmem>>) dst(%dma_wait3A_177 : memref<10240xf32, #tpu.memory_space<vmem_shared>>)
        tpu.yield
      }) : () -> ()
    }
    %scan3A_9 = arith.constant 79 : i32
    %barrier3A_10 = arith.constant 0 : index
    tpu.barrier barrier_id(%barrier3A_10)
    %mul3A_11 = arith.constant 640 : i32
    %mul3A_12 = arith.muli %arg1, %mul3A_11 : i32
    "tpu.region"() ({
      %run_scoped3A = tpu.sem_alloc : memref<!tpu.dma_semaphore, #tpu.memory_space<semaphore_mem>>
      %dma_start3A = arith.constant 0 : i32
      %dma_start3A_13 = arith.constant 0 : i32
      %dma_start3A_14 = tpu.memref_slice %arg10[%arg0, %dma_start3A, %dma_start3A_13] : memref<2x10240x32xf32, #tpu.memory_space<hbm>> -> memref<1x10240x32xf32, #tpu.memory_space<hbm>>
      %dma_start3A_15 = tpu.memref_squeeze %dma_start3A_14 : memref<1x10240x32xf32, #tpu.memory_space<hbm>> -> memref<10240x32xf32, #tpu.memory_space<hbm>>
      %dma_start3A_16 = arith.constant 0 : i32
      %dma_start3A_17 = tpu.memref_slice %dma_start3A_15[%mul3A_12, %dma_start3A_16] : memref<10240x32xf32, #tpu.memory_space<hbm>> -> memref<640x32xf32, #tpu.memory_space<hbm>>
      %dma_start3A_18 = arith.constant 0 : i32
      %dma_start3A_19 = tpu.memref_slice %arg12[%mul3A_12, %dma_start3A_18] : memref<10240x32xf32, #tpu.memory_space<vmem_shared>> -> memref<640x32xf32, #tpu.memory_space<vmem_shared>>
      tpu.enqueue_dma source(%dma_start3A_19 : memref<640x32xf32, #tpu.memory_space<vmem_shared>>) target(%dma_start3A_17 : memref<640x32xf32, #tpu.memory_space<hbm>>) target_semaphore(%run_scoped3A : memref<!tpu.dma_semaphore, #tpu.memory_space<semaphore_mem>>)
      %dma_wait3A = arith.constant 0 : i32
      %dma_wait3A_20 = arith.constant 0 : i32
      %dma_wait3A_21 = tpu.memref_slice %arg10[%arg0, %dma_wait3A, %dma_wait3A_20] : memref<2x10240x32xf32, #tpu.memory_space<hbm>> -> memref<1x10240x32xf32, #tpu.memory_space<hbm>>
      %dma_wait3A_22 = tpu.memref_squeeze %dma_wait3A_21 : memref<1x10240x32xf32, #tpu.memory_space<hbm>> -> memref<10240x32xf32, #tpu.memory_space<hbm>>
      %dma_wait3A_23 = arith.constant 0 : i32
      %dma_wait3A_24 = tpu.memref_slice %dma_wait3A_22[%mul3A_12, %dma_wait3A_23] : memref<10240x32xf32, #tpu.memory_space<hbm>> -> memref<640x32xf32, #tpu.memory_space<hbm>>
      %dma_wait3A_25 = arith.constant 0 : i32
      %dma_wait3A_26 = tpu.memref_slice %arg12[%mul3A_12, %dma_wait3A_25] : memref<10240x32xf32, #tpu.memory_space<vmem_shared>> -> memref<640x32xf32, #tpu.memory_space<vmem_shared>>
      tpu.wait_dma2 semaphore(%run_scoped3A : memref<!tpu.dma_semaphore, #tpu.memory_space<semaphore_mem>>) src(%dma_wait3A_26 : memref<640x32xf32, #tpu.memory_space<vmem_shared>>) dst(%dma_wait3A_24 : memref<640x32xf32, #tpu.memory_space<hbm>>)
      tpu.yield
    }) : () -> ()
    "tpu.region"() ({
      %run_scoped3A = tpu.sem_alloc : memref<!tpu.dma_semaphore, #tpu.memory_space<semaphore_mem>>
      %dma_start3A = arith.constant 0 : i32
      %dma_start3A_13 = tpu.memref_slice %arg11[%arg0, %dma_start3A] : memref<2x10240xf32, #tpu.memory_space<hbm>> -> memref<1x10240xf32, #tpu.memory_space<hbm>>
      %dma_start3A_14 = tpu.memref_squeeze %dma_start3A_13 : memref<1x10240xf32, #tpu.memory_space<hbm>> -> memref<10240xf32, #tpu.memory_space<hbm>>
      %dma_start3A_15 = tpu.memref_slice %dma_start3A_14[%mul3A_12] : memref<10240xf32, #tpu.memory_space<hbm>> -> memref<640xf32, #tpu.memory_space<hbm>>
      %dma_start3A_16 = tpu.memref_slice %arg13[%mul3A_12] : memref<10240xf32, #tpu.memory_space<vmem_shared>> -> memref<640xf32, #tpu.memory_space<vmem_shared>>
      tpu.enqueue_dma source(%dma_start3A_16 : memref<640xf32, #tpu.memory_space<vmem_shared>>) target(%dma_start3A_15 : memref<640xf32, #tpu.memory_space<hbm>>) target_semaphore(%run_scoped3A : memref<!tpu.dma_semaphore, #tpu.memory_space<semaphore_mem>>)
      %dma_wait3A = arith.constant 0 : i32
      %dma_wait3A_17 = tpu.memref_slice %arg11[%arg0, %dma_wait3A] : memref<2x10240xf32, #tpu.memory_space<hbm>> -> memref<1x10240xf32, #tpu.memory_space<hbm>>
      %dma_wait3A_18 = tpu.memref_squeeze %dma_wait3A_17 : memref<1x10240xf32, #tpu.memory_space<hbm>> -> memref<10240xf32, #tpu.memory_space<hbm>>
      %dma_wait3A_19 = tpu.memref_slice %dma_wait3A_18[%mul3A_12] : memref<10240xf32, #tpu.memory_space<hbm>> -> memref<640xf32, #tpu.memory_space<hbm>>
      %dma_wait3A_20 = tpu.memref_slice %arg13[%mul3A_12] : memref<10240xf32, #tpu.memory_space<vmem_shared>> -> memref<640xf32, #tpu.memory_space<vmem_shared>>
      tpu.wait_dma2 semaphore(%run_scoped3A : memref<!tpu.dma_semaphore, #tpu.memory_space<semaphore_mem>>) src(%dma_wait3A_20 : memref<640xf32, #tpu.memory_space<vmem_shared>>) dst(%dma_wait3A_19 : memref<640xf32, #tpu.memory_space<hbm>>)
      tpu.yield
    }) : () -> ()
    return
  }
}

</mosaic_0001>

<sc_bundles>
// kernel: _sc_edge_pass.3.cloned.1.call-start
scs
__scs_entry_jumppad:
0x0: {  	(pc) =	sbr.rel $0x88, $3  }
0x1: {  	(tag) =	ssettag $0x0;
	lr =	simm.s32 $0x1  }
0x2: {  	[smem:$0x3F99] =	sst lr;
	_ =	strace $0xD0000000  }
0x3: {  	_ = 	snop  }
0x4: {  	_ = 	snop  }
0x5: {  	_ = 	snop  }
0x6: {  	_ = 	snop  }
0x7: {  	_ = 	snop  }
__scs_overlays_trampoline_lowered:
0x8: {  	[smem:$0x3FA8] =	sst s0  }
0x9: {  	[smem:$0x3FA9] =	sst s1  }
0xa: {  	[smem:$0x3FAA] =	sst s2  }
0xb: {  	[smem:$0x3FAB] =	sst s3  }
0xc: {  	[smem:$0x3FAC] =	sst s4  }
0xd: {  	[smem:$0x3FAD] =	sst s5  }
0xe: {  	[smem:$0x3FAE] =	sst s6  }
0xf: {  	[smem:$0x3FAF] =	sst s7  }
0x10: {  	[smem:$0x3FB0] =	sst s8  }
0x11: {  	[smem:$0x3FB1] =	sst s9;
	s0 =	simm.s32 @!p0 $0x0  }
0x12: {  	s1 =	sld [smem:$0x3F97];
	s0 =	simm.s32 @p0 $0x1  }
0x13: {  	[smem:$0x3FB2] =	sst s0;
	s0 =	simm.s32 @!p1 $0x0  }
0x14: {  	s2 =	sld [smem:$0x3F96];
	s0 =	simm.s32 @p1 $0x1  }
0x15: {  	[smem:$0x3FB3] =	sst s0;
	s0 =	simm.s32 @!p2 $0x0  }
0x16: {  	s3 =	sld [smem:$0x3FDB];
	s0 =	simm.s32 @p2 $0x1  }
0x17: {  	s4 =	simm.s32 $0x1BF5;
	[smem:$0x3FB5] =	sst s0  }
0x18: {  	s0 =	sld [smem:$0x3F98];
	_ =	swait.ge [sflag:s4], $0x0  }
0x19: {  	s7 =	sld [smem:$0x3F99]  }
0x1a: {  	s8 =	sadd.s32 $0xFFFFE003, lr  }
0x1b: {  	s9 =	sadd.s32 $0xFFFFFEF7, lr;
	s5 =	simm.s32 $0xFFFFFFFF;
	p2 =	slt.u32 s8, $0xFFFFF086  }
0x1c: {  	p1 =	slt.u32 s9, $0xF7A;
	s5 =	simm.s32 @!p2 $0x0  }
0x1d: {  	s5 =	simm.s32 @p1 $0x1;
	p0 =	seq.s32 s7, s2  }
0x1e: {  	s7 =	smul.u32 @!p0 $0xF7A, s2;
	p2 =	seq.s32 @!p0 s5, $0x0  }
0x1f: {  	s9 =	smul.u32 $0xF7A, s1;
	s8 =	simm.s32 @!p0 $0x1BF5;
	p2 =	por !p2, p0  }
0x20: {  	[sflag:s8] =	ssyncset.s32 @!p0 $0xFFFFF086;
	s6 =	sadd.s32 @!p0 s3, s7;
	s7 =	simm.s32 @!p0 $0x108  }
0x21: {  	s3 =	sadd.s32 s3, s9;
	s6 =	sadd.s32 @!p0 $0x88, s6;
	s7 =	simm.s32 @p2 $0x1082  }
0x22: {  	[simem:s7], [sflag:s8] =	dma.local @!p0 [hbm:s6], $0xF7A  }
0x23: {  	s9 =	sor.u32 $0xD0000000, s2;
	s6 =	simm.s32 $0x108;
	_ =	swait.ge @!p0 [sflag:s8], $0x0  }
0x24: {  	s3 =	sadd.s32 $0x88, s3;
	s6 =	simm.s32 @!p1 $0x1082;
	[sflag:s4] =	ssyncset.s32 $0xFFFFF086  }
0x25: {  	[simem:s6], [sflag:s4] =	dma.local [hbm:s3], $0xF7A  }
0x26: {  	[smem:$0x3F99] =	sst s1;
	(tag) =	ssettag s2;
	_ =	strace s9  }
0x27: {  	s1 =	sld [smem:$0x3FA9]  }
0x28: {  	s2 =	sld [smem:$0x3FAA]  }
0x29: {  	s4 =	sld [smem:$0x3FAC]  }
0x2a: {  	p0 =	seq.s32 s5, $0x0;
	s5 =	sld [smem:$0x3FAD]  }
0x2b: {  	s6 =	sld [smem:$0x3FAE]  }
0x2c: {  	s7 =	sld [smem:$0x3FAF]  }
0x2d: {  	s3 =	simm.s32 $0x108;
	s8 =	sld [smem:$0x3FB0]  }
0x2e: {  	s3 =	simm.s32 @!p0 $0x1082;
	s9 =	sld [smem:$0x3FB1]  }
0x2f: {  	lr =	sadd.s32 s0, s3;
	s0 =	sld [smem:$0x3FA8]  }
0x30: {  	s3 =	sld [smem:$0x3FAB]  }
0x31: {  	[smem:$0x3FB4] =	sst s10  }
0x32: {  	s10 =	sld [smem:$0x3FB2];
	_ =	sdelay $0x3  }
0x33: {  	p0 =	seq.s32 s10, $0x1;
	s10 =	sld [smem:$0x3FB4];
	_ =	sdelay $0x3  }
0x34: {  	[smem:$0x3FB4] =	sst s10  }
0x35: {  	s10 =	sld [smem:$0x3FB3];
	_ =	sdelay $0x3  }
0x36: {  	p1 =	seq.s32 s10, $0x1;
	s10 =	sld [smem:$0x3FB4];
	_ =	sdelay $0x3  }
0x37: {  	[smem:$0x3FB4] =	sst s10  }
0x38: {  	s10 =	sld [smem:$0x3FB5]  }
0x39: {  	_ = 	snop;
	(pc) =	sbr.ind lr, $3  }
0x3a: {  	_ = 	snop  }
0x3b: {  	_ = 	snop  }
0x3c: {  	p2 =	seq.s32 s10, $0x1;
	s10 =	sld [smem:$0x3FB4]  }
0x3d: {  	_ =	shalt  }
0x3e: {  	_ =	shalt  }
0x3f: {  	_ =	shalt  }
0x40: {  	_ =	shalt  }
0x41: {  	_ =	shalt  }
0x42: {  	_ =	shalt  }
0x43: {  	_ =	shalt  }
0x44: {  	_ =	shalt  }
0x45: {  	_ =	shalt  }
0x46: {  	_ =	shalt  }
0x47: {  	_ =	shalt  }
0x48: {  	_ =	shalt  }
0x49: {  	_ =	shalt  }
0x4a: {  	_ =	shalt  }
0x4b: {  	_ =	shalt  }
0x4c: {  	_ =	shalt  }
0x4d: {  	_ =	shalt  }
0x4e: {  	_ =	shalt  }
0x4f: {  	_ =	shalt  }
0x50: {  	_ =	shalt  }
0x51: {  	_ =	shalt  }
0x52: {  	_ =	shalt  }
0x53: {  	_ =	shalt  }
0x54: {  	_ =	shalt  }
0x55: {  	_ =	shalt  }
0x56: {  	_ =	shalt  }
0x57: {  	_ =	shalt  }
0x58: {  	_ =	shalt  }
0x59: {  	_ =	shalt  }
0x5a: {  	_ =	shalt  }
0x5b: {  	_ =	shalt  }
0x5c: {  	_ =	shalt  }
0x5d: {  	_ =	shalt  }
0x5e: {  	_ =	shalt  }
0x5f: {  	_ =	shalt  }
0x60: {  	_ =	shalt  }
0x61: {  	_ =	shalt  }
0x62: {  	_ =	shalt  }
0x63: {  	_ =	shalt  }
0x64: {  	_ =	shalt  }
0x65: {  	_ =	shalt  }
0x66: {  	_ =	shalt  }
0x67: {  	_ =	shalt  }
0x68: {  	_ =	shalt  }
0x69: {  	_ =	shalt  }
0x6a: {  	_ =	shalt  }
0x6b: {  	_ =	shalt  }
0x6c: {  	_ =	shalt  }
0x6d: {  	_ =	shalt  }
0x6e: {  	_ =	shalt  }
0x6f: {  	_ =	shalt  }
0x70: {  	_ =	shalt  }
0x71: {  	_ =	shalt  }
0x72: {  	_ =	shalt  }
0x73: {  	_ =	shalt  }
0x74: {  	_ =	shalt  }
0x75: {  	_ =	shalt  }
0x76: {  	_ =	shalt  }
0x77: {  	_ =	shalt  }
0x78: {  	_ =	shalt  }
0x79: {  	_ =	shalt  }
0x7a: {  	_ =	shalt  }
0x7b: {  	_ =	shalt  }
0x7c: {  	_ =	shalt  }
0x7d: {  	_ =	shalt  }
0x7e: {  	_ =	shalt  }
0x7f: {  	_ =	shalt  }
0x80: {  	_ =	shalt  }
0x81: {  	_ =	shalt  }
0x82: {  	_ =	shalt  }
0x83: {  	_ =	shalt  }
0x84: {  	_ =	shalt  }
0x85: {  	_ =	shalt  }
0x86: {  	_ =	shalt  }
0x87: {  	_ =	shalt  }
.Lfunc_end0:
.L_simem_size_0:
called_computation_lowered:
.L_overlay_start_0:
0x88: {  	s2 =	sld [smem:$0x3FD9]  }
0x89: {  	s3 =	sld [smem:$0x3FFE];
	_ =	sdelay $0x1  }
0x8a: {  	s1 =	srdreg.scid  }
0x8b: {  	s0 =	sand.u32 $0x1, s1  }
0x8c: {  	s14 =	sshll.u32 s0, $0xA;
	s2 =	sadd.s32 s3, s2  }
0x8d: {  	s2 =	sadd.s32 s2, s14  }
0x8e: {  	[smem:$0x3FC0] =	sst s2  }
0x8f: {  	_ = 	snop  }
0x90: {  	s2 =	sld [smem:$0x3FC7]  }
0x91: {  	s15 =	sld [smem:$0x3FD0]  }
0x92: {  	s4 =	sld [smem:$0x3FC6]  }
0x93: {  	s5 =	sld [smem:$0x3FC4]  }
0x94: {  	s7 =	simm.s32 $0xA;
	s8 =	simm.s32 $0x10;
	s6 =	sld [smem:$0x3FC2]  }
0x95: {  	[smem:s8], [sflag:s7] =	dma.local [hbm:s15], $0x1  }
0x96: {  	_ =	swait.eq [sflag:s7], $0x1  }
0x97: {  	[sflag:s7] =	ssyncset.done $0x0  }
0x98: {  	s16 =	sld [smem:$0x10];
	[sflag:s7] =	ssyncadd.s32 $0xFFFFFFFF  }
0x99: {  	s17 =	sld [smem:$0x11];
	(tm) =	ssettm $0x1  }
0x9a: {  	s18 =	sld [smem:$0x3FFB];
	_ =	sdelay $0x3  }
0x9b: {  	_ =	strace s18  }
0x9c: {  	s8 =	sld [smem:$0x3FFC];
	_ =	sdelay $0x3  }
0x9d: {  	_ =	strace s8  }
0x9e: {  	s8 =	sld [smem:$0x3FFD];
	_ =	sdelay $0x3  }
0x9f: {  	_ =	strace s8  }
0xa0: {  	_ =	strace $0x8FFFFFFF  }
0xa1: {  	s19 =	sld [smem:$0x3FDB];
	_ =	sdelay $0x1  }
0xa2: {  	s9 =	simm.s32 $_scs_section_size  }
0xa3: {  	s10 =	simm.s32 $_size__tile_overlayer_lowered;
	s11 =	simm.s32 $_tile_overlayer_lowered  }
0xa4: {  	s22 =	simm.s32 $0x1BFF;
	s21 =	sshll.u32 s11, $0x1;
	s8 =	sadd.s32 s9, s19  }
0xa5: {  	s12 =	simm.s32 $0x0;
	s20 =	sshll.u32 s10, $0x1;
	s10 =	sadd.s32 s21, s8  }
0xa6: {  	[timem:s12], [sflag:s22] =	dma.local [hbm:s10], s20  }
0xa7: {  	_ =	swait.ge [sflag:s22], s20  }
0xa8: {  	s9 =	ssub.s32 $0x0, s20;
	[sflag:s22] =	ssyncset.done $0x0  }
0xa9: {  	[sflag:s22] =	ssyncadd.s32 s9;
	_ =	sdelay $0x1  }
0xaa: {  	s23 =	simm.s32 $0x1B8B  }
0xab: {  	_ =	swait.ge [sflag:s23], $0x1  }
0xac: {  	[sflag:s23] =	ssyncset.done $0x0  }
0xad: {  	s25 =	simm.s32 $0x1B8E;
	s24 =	sld [smem:$0x3FFE];
	[sflag:s23] =	ssyncadd.s32 $0xFFFFFFFF  }
0xae: {  	s26 =	simm.s32 $execute0_lowered;
	[smem:$0x3FD2] =	sst s25  }
0xaf: {  	s10 =	sshll.u32 s26, $0x1;
	_ =	strace $0x80000046;
	[dreg:$0x1] =	wrdreg $0xFFFFFFFF  }
0xb0: {  	s28 =	simm.s32 $_size_execute0_lowered;
	s8 =	sadd.s32 s8, s10;
	[dreg:$0x0] =	wrdreg $0x0  }
0xb1: {  	s10 =	sshll.u32 s28, $0x1;
	[dreg:$0x2] =	wrdreg s8  }
0xb2: {  	[dreg:$0x3] =	wrdreg s10  }
0xb3: {  	[dreg:$0x4] =	wrdreg $0xC0  }
0xb4: {  	_ =	task [dreg:s12], $0x5FFFF  }
0xb5: {  	[dreg:$0x1] =	wrdreg $0xFFFFFFFF  }
0xb6: {  	[dreg:$0x0] =	wrdreg $0x60  }
0xb7: {  	[dreg:$0x2] =	wrdreg s24  }
0xb8: {  	[dreg:$0x3] =	wrdreg s2  }
0xb9: {  	[dreg:$0x4] =	wrdreg s4  }
0xba: {  	[dreg:$0x5] =	wrdreg s5  }
0xbb: {  	[dreg:$0x6] =	wrdreg s17  }
0xbc: {  	[dreg:$0x7] =	wrdreg s6  }
0xbd: {  	[dreg:$0x8] =	wrdreg s16  }
0xbe: {  	[dreg:$0x9] =	wrdreg $0x0  }
0xbf: {  	[dreg:$0xa] =	wrdreg $0x50000  }
0xc0: {  	[dreg:$0xb] =	wrdreg $0x9  }
0xc1: {  	_ =	task.clear_ibuf [dreg:s12], $0xCFFFF;
	_ =	strace $0x90000046  }
0xc2: {  	s29 =	simm.s32 $0x9;
	_ =	strace $0x80000048  }
0xc3: {  	_ =	swait.ge [sflag:s29], $0x1  }
0xc4: {  	[sflag:s29] =	ssyncadd.s32 $0xFFFFFFFF  }
0xc5: {  	_ =	strace $0x90000048  }
0xc6: {  	_ =	sfence  }
0xc7: {  	s30 =	sld [smem:$0x0];
	_ =	sdelay $0x2  }
0xc8: {  	s31 =	sshll.u32 s1, $0xD;
	s1 =	sshrl.u32 s1, $0x2  }
0xc9: {  	s3 =	sand.u32 $0x4000, s31;
	s1 =	sadd.s32 s1, s30  }
0xca: {  	s0 =	sor.u32 s3, s0;
	s1 =	sshll.u32 s1, $0x11  }
0xcb: {  	s0 =	sor.u32 s1, s0  }
0xcc: {  	s0 =	sadd.s32 $0x8F2B, s0  }
0xcd: {  	[sflag:s0] =	ssyncadd.remote.s32 $0x1  }
0xce: {  	_ =	sfence.sel $0xFFFF  }
0xcf: {  	[dreg:$0x0] =	wrdreg $0xFFFFFFFF;
	(pc) =	sbr.abs _section_cstart, $3  }
0xd0: {  	[dreg:$0x1] =	wrdreg $0xFFFFFFFF  }
0xd1: {  	_ =	task.clear_ibuf [dreg:s12], $0x2FFFF;
	_ =	strace $0x9FFFFFFF  }
0xd2: {  	(tm) =	ssettm $0x7FFFFFFF  }
0xd3: {  	_ =	shalt  }
tec
execute0_lowered:
.L_overlay_start_1:
0x0: {  	(tag) =	ssettag $0x1  }
0x1: {  	s0 =	rddreg [dreg:$0x0]  }
0x2: {  	s2 =	rddreg [dreg:$0x6]  }
0x3: {  	s1 =	srdreg.scid;
	s7 =	rddreg [dreg:$0x7]  }
0x4: {  	s11 =	stileid.u32;
	s8 =	rddreg [dreg:$0x8]  }
0x5: {  	s9 =	simm.s32 $0x0;
	s16 =	simm.s32 $0x5280;
	s17 =	simm.s32 $0x2  }
0x6: {  	s18 =	simm.s32 $0x7A80;
	s19 =	simm.s32 $0xA280;
	s20 =	simm.s32 $0xCA00  }
0x7: {  	s21 =	simm.s32 $0x10210;
	s23 =	simm.s32 $0x80;
	s25 =	simm.s32 $0xF180  }
0x8: {  	s28 =	simm.s32 $0x10180;
	s29 =	simm.s32 $0x0;
	s6 =	smul.u32 $0x280, s11  }
0x9: {  	s1 =	sand.u32 $0x1, s1;
	[smem:$0x7FF] =	sst s9;
	s15 =	smul.u32 $0x5000, s11  }
0xa: {  	s10 =	sadd.s32 $0x14800, s0;
	s3 =	sshll.u32 s1, $0x4;
	s4 =	smul.u32 $0x500, s1  }
0xb: {  	_ =	strace $0x80000047;
	s5 =	ssub.s32 $0x2, s1;
	s1 =	smul.u32 $0xA000, s1  }
0xc: {  	s3 =	sor.u32 s11, s3;
	s26 =	sshrl.u32 s5, $0x1;
	s13 =	sadd.s32 s15, s7  }
0xd: {  	s30 =	sshrl.u32 s15, $0x3;
	s3 =	smul.u32 $0x4F0, s3;
	s1 =	sadd.s32 s2, s1  }
0xe: {  	s14 =	sadd.s32 s6, s8;
	s31 =	sshrl.u32 s6, $0x3;
	s22 =	sadd.s32 s30, s1  }
0xf: {  	s3 =	sadd.s32 s3, s0;
	s0 =	sadd.s32 s4, s0;
	s4 =	ssub.s32 s5, s26  }
0x10: {  	s26 =	simm.s32 $0x1;
	s11 =	sadd.s32 $0xC00, s3;
	s0 =	sadd.s32 $0x1E800, s0  }
0x11: {  	s12 =	sadd.s32 $0xAA00, s3;
	s15 =	smax.u32 s4, $0x1;
	s24 =	sadd.s32 s31, s0  }
.LBB2_1:
0x12: {  	s0 =	rddreg [dreg:$0x1]  }
0x13: {  	[tilespmem:s16], [sflag:$0x2] =	stream.linear.gather [hbm4b:s0+s9], $0x2800, $0x38;
	[tilespmem:$0x10220] =	vst v63  }
0x14: {  	_ =	swait.ge [sflag:s17], $0x2800  }
0x15: {  	[sflag:s17] =	ssyncset.done $0x0  }
0x16: {  	[sflag:s17] =	ssyncadd.s32 $0xFFFFD800  }
0x17: {  	s1 =	rddreg [dreg:$0x2]  }
0x18: {  	[tilespmem:s18], [sflag:$0x2] =	stream.linear.gather [hbm4b:s1+s9], $0x2800, $0x38;
	[tilespmem:$0x10220] =	vst v63  }
0x19: {  	_ =	swait.ge [sflag:s17], $0x2800  }
0x1a: {  	[sflag:s17] =	ssyncset.done $0x0  }
0x1b: {  	[sflag:s17] =	ssyncadd.s32 $0xFFFFD800  }
0x1c: {  	[tilespmem:s19], [sflag:$0x2] =	stream.linear.gather [hbm4b:s11+s9], $0x2780, $0x38;
	[tilespmem:$0x10220] =	vst v63  }
0x1d: {  	_ =	swait.ge [sflag:s17], $0x2780  }
0x1e: {  	[sflag:s17] =	ssyncset.done $0x0  }
0x1f: {  	[sflag:s17] =	ssyncadd.s32 $0xFFFFD880  }
0x20: {  	[tilespmem:s20], [sflag:$0x2] =	stream.linear.gather [hbm4b:s12+s9], $0x2780, $0x38;
	[tilespmem:$0x10220] =	vst v63  }
0x21: {  	_ =	swait.ge [sflag:s17], $0x2780  }
0x22: {  	[sflag:s17] =	ssyncset.done $0x0  }
0x23: {  	[sflag:s17] =	ssyncadd.s32 $0xFFFFD880  }
0x24: {  	s2 =	rddreg [dreg:$0x3]  }
0x25: {  	[tilespmem:s21], [sflag:$0x2] =	stream.linear.gather [hbm4b:s2+s9], $0x10, $0x38;
	[tilespmem:$0x10220] =	vst v63  }
0x26: {  	_ =	swait.ge [sflag:s17], $0x10  }
0x27: {  	s3 =	stileid.u32;
	[sflag:s17] =	ssyncset.done $0x0  }
0x28: {  	s0 =	sshll.u32 s3, $0x6;
	[sflag:s17] =	ssyncadd.s32 $0xFFFFFFF0  }
0x29: {  	s31 =	sshrl.u32 s13, $0x3;
	s30 =	sor.u32 $0x1C02, s0;
	s4 =	rddreg [dreg:$0x4]  }
0x2a: {  	[spmem:s31], [sflag:s30] =	dma.local [hbm:s4], $0xA00  }
0x2b: {  	_ =	swait.ge [sflag:s17], $0xA00  }
0x2c: {  	[sflag:s17] =	ssyncset.done $0x0  }
0x2d: {  	[sflag:s17] =	ssyncadd.s32 $0xFFFFF600  }
0x2e: {  	s6 =	sshrl.u32 s14, $0x3;
	s5 =	rddreg [dreg:$0x5]  }
0x2f: {  	[spmem:s6], [sflag:s30] =	dma.local [hbm:s5], $0x50  }
0x30: {  	_ =	swait.ge [sflag:s17], $0x50  }
0x31: {  	[sflag:s17] =	ssyncset.done $0x0  }
0x32: {  	[sflag:s17] =	ssyncadd.s32 $0xFFFFFFB0  }
0x33: {  	[bflag:$0x0] =	sbarrier.arrive $0xFFFF  }
0x34: {  	s0 =	simm.s32 $0x0;
	v0 =	vld [tilespmem:$0x10210]  }
.LBB2_2:
0x35: {  	s1 =	sshll.u32 s0, $0x7  }
0x36: {  	s2 =	sadd.s32 $0xA280, s1  }
0x37: {  	[tilespmem:s25], [sflag:$0x1] =	stream.indirect.gather [hbm4b:s10+s23], $0x20, s2, s23, $0xb8;
	[tilespmem:$0x10220] =	vst v63  }
0x38: {  	v1 =	vld [tilespmem:s1+$0xA280]  }
0x39: {  	v2 =	vld [tilespmem:s1+$0xCA00];
	_ =	sdelay $0x6  }
0x3a: {  	v1 =	vld.idx.msk [tilespmem:v1+s16+$0x0], $0xffff  }
0x3b: {  	v2 =	vld.idx.msk [tilespmem:v2+s18+$0x0], $0xffff;
	_ =	sdelay $0x4  }
0x3c: {  	v1 =	vadd.f32 v2, v1;
	_ =	sdelay $0x1  }
0x3d: {  	v2 =	vmul.f32 $2.000000030e-01, v1;
	_ =	sdelay $0x1  }
0x3e: {  	v1 =	vmax.f32 v1, v2  }
0x3f: {  	v1 =	vsub.f32 v1, v0;
	_ =	sdelay $0x1  }
0x40: {  	v1 =	vmul.f32 $1.442695020e+00, v1;
	_ =	sdelay $0x1  }
0x41: {  	(erf) = vpow2.f32 v1;
	_ =	sdelay $0x8  }
0x42: {  	v1 =	vpop (erf)  }
0x43: {  	[tilespmem:$0x10180] =	vst v1  }
0x44: {  	v1 =	vld [tilespmem:s1+$0xA290]  }
0x45: {  	v2 =	vld [tilespmem:s1+$0xCA10];
	_ =	sdelay $0x6  }
0x46: {  	v1 =	vld.idx.msk [tilespmem:v1+s16+$0x0], $0xffff  }
0x47: {  	v2 =	vld.idx.msk [tilespmem:v2+s18+$0x0], $0xffff;
	_ =	sdelay $0x4  }
0x48: {  	v1 =	vadd.f32 v2, v1;
	_ =	sdelay $0x1  }
0x49: {  	v2 =	vmul.f32 $2.000000030e-01, v1;
	_ =	sdelay $0x1  }
0x4a: {  	v1 =	vmax.f32 v1, v2  }
0x4b: {  	v1 =	vsub.f32 v1, v0;
	_ =	sdelay $0x1  }
0x4c: {  	v1 =	vmul.f32 $1.442695020e+00, v1;
	_ =	sdelay $0x1  }
0x4d: {  	(erf) = vpow2.f32 v1;
	_ =	sdelay $0x8  }
0x4e: {  	v1 =	vpop (erf)  }
0x4f: {  	[tilespmem:$0x10190] =	vst v1  }
0x50: {  	v1 =	vld [tilespmem:s1+$0xA2A0]  }
0x51: {  	v2 =	vld [tilespmem:s1+$0xCA20];
	_ =	sdelay $0x6  }
0x52: {  	v1 =	vld.idx.msk [tilespmem:v1+s16+$0x0], $0xffff  }
0x53: {  	v2 =	vld.idx.msk [tilespmem:v2+s18+$0x0], $0xffff;
	_ =	sdelay $0x4  }
0x54: {  	v1 =	vadd.f32 v2, v1;
	_ =	sdelay $0x1  }
0x55: {  	v2 =	vmul.f32 $2.000000030e-01, v1;
	_ =	sdelay $0x1  }
0x56: {  	v1 =	vmax.f32 v1, v2  }
0x57: {  	v1 =	vsub.f32 v1, v0;
	_ =	sdelay $0x1  }
0x58: {  	v1 =	vmul.f32 $1.442695020e+00, v1;
	_ =	sdelay $0x1  }
0x59: {  	(erf) = vpow2.f32 v1;
	_ =	sdelay $0x8  }
0x5a: {  	v1 =	vpop (erf)  }
0x5b: {  	[tilespmem:$0x101A0] =	vst v1  }
0x5c: {  	v1 =	vld [tilespmem:s1+$0xA2B0]  }
0x5d: {  	v2 =	vld [tilespmem:s1+$0xCA30];
	_ =	sdelay $0x6  }
0x5e: {  	v1 =	vld.idx.msk [tilespmem:v1+s16+$0x0], $0xffff  }
0x5f: {  	v2 =	vld.idx.msk [tilespmem:v2+s18+$0x0], $0xffff;
	_ =	sdelay $0x4  }
0x60: {  	v1 =	vadd.f32 v2, v1;
	_ =	sdelay $0x1  }
0x61: {  	v2 =	vmul.f32 $2.000000030e-01, v1;
	_ =	sdelay $0x1  }
0x62: {  	v1 =	vmax.f32 v1, v2  }
0x63: {  	v1 =	vsub.f32 v1, v0;
	_ =	sdelay $0x1  }
0x64: {  	v1 =	vmul.f32 $1.442695020e+00, v1;
	_ =	sdelay $0x1  }
0x65: {  	(erf) = vpow2.f32 v1;
	_ =	sdelay $0x8  }
0x66: {  	v1 =	vpop (erf)  }
0x67: {  	[tilespmem:$0x101B0] =	vst v1  }
0x68: {  	v1 =	vld [tilespmem:s1+$0xA2C0]  }
0x69: {  	v2 =	vld [tilespmem:s1+$0xCA40];
	_ =	sdelay $0x6  }
0x6a: {  	v1 =	vld.idx.msk [tilespmem:v1+s16+$0x0], $0xffff  }
0x6b: {  	v2 =	vld.idx.msk [tilespmem:v2+s18+$0x0], $0xffff;
	_ =	sdelay $0x4  }
0x6c: {  	v1 =	vadd.f32 v2, v1;
	_ =	sdelay $0x1  }
0x6d: {  	v2 =	vmul.f32 $2.000000030e-01, v1;
	_ =	sdelay $0x1  }
0x6e: {  	v1 =	vmax.f32 v1, v2  }
0x6f: {  	v1 =	vsub.f32 v1, v0;
	_ =	sdelay $0x1  }
0x70: {  	v1 =	vmul.f32 $1.442695020e+00, v1;
	_ =	sdelay $0x1  }
0x71: {  	(erf) = vpow2.f32 v1;
	_ =	sdelay $0x8  }
0x72: {  	v1 =	vpop (erf)  }
0x73: {  	[tilespmem:$0x101C0] =	vst v1  }
0x74: {  	v1 =	vld [tilespmem:s1+$0xA2D0]  }
0x75: {  	v2 =	vld [tilespmem:s1+$0xCA50];
	_ =	sdelay $0x6  }
0x76: {  	v1 =	vld.idx.msk [tilespmem:v1+s16+$0x0], $0xffff  }
0x77: {  	v2 =	vld.idx.msk [tilespmem:v2+s18+$0x0], $0xffff;
	_ =	sdelay $0x4  }
0x78: {  	v1 =	vadd.f32 v2, v1;
	_ =	sdelay $0x1  }
0x79: {  	v2 =	vmul.f32 $2.000000030e-01, v1;
	_ =	sdelay $0x1  }
0x7a: {  	v1 =	vmax.f32 v1, v2  }
0x7b: {  	v1 =	vsub.f32 v1, v0;
	_ =	sdelay $0x1  }
0x7c: {  	v1 =	vmul.f32 $1.442695020e+00, v1;
	_ =	sdelay $0x1  }
0x7d: {  	(erf) = vpow2.f32 v1;
	_ =	sdelay $0x8  }
0x7e: {  	v1 =	vpop (erf)  }
0x7f: {  	[tilespmem:$0x101D0] =	vst v1  }
0x80: {  	v1 =	vld [tilespmem:s1+$0xA2E0]  }
0x81: {  	v2 =	vld [tilespmem:s1+$0xCA60];
	_ =	sdelay $0x6  }
0x82: {  	v1 =	vld.idx.msk [tilespmem:v1+s16+$0x0], $0xffff  }
0x83: {  	v2 =	vld.idx.msk [tilespmem:v2+s18+$0x0], $0xffff;
	_ =	sdelay $0x4  }
0x84: {  	v1 =	vadd.f32 v2, v1;
	_ =	sdelay $0x1  }
0x85: {  	v2 =	vmul.f32 $2.000000030e-01, v1;
	_ =	sdelay $0x1  }
0x86: {  	v1 =	vmax.f32 v1, v2  }
0x87: {  	v1 =	vsub.f32 v1, v0;
	_ =	sdelay $0x1  }
0x88: {  	v1 =	vmul.f32 $1.442695020e+00, v1;
	_ =	sdelay $0x1  }
0x89: {  	(erf) = vpow2.f32 v1;
	_ =	sdelay $0x8  }
0x8a: {  	v1 =	vpop (erf)  }
0x8b: {  	[tilespmem:$0x101E0] =	vst v1  }
0x8c: {  	v1 =	vld [tilespmem:s1+$0xA2F0]  }
0x8d: {  	v2 =	vld [tilespmem:s1+$0xCA70];
	_ =	sdelay $0x6  }
0x8e: {  	v1 =	vld.idx.msk [tilespmem:v1+s16+$0x0], $0xffff  }
0x8f: {  	v2 =	vld.idx.msk [tilespmem:v2+s18+$0x0], $0xffff;
	_ =	sdelay $0x4  }
0x90: {  	v1 =	vadd.f32 v2, v1;
	_ =	sdelay $0x1  }
0x91: {  	v2 =	vmul.f32 $2.000000030e-01, v1;
	_ =	sdelay $0x1  }
0x92: {  	v1 =	vmax.f32 v1, v2  }
0x93: {  	v1 =	vsub.f32 v1, v0;
	_ =	sdelay $0x1  }
0x94: {  	v1 =	vmul.f32 $1.442695020e+00, v1;
	_ =	sdelay $0x1  }
0x95: {  	(erf) = vpow2.f32 v1;
	_ =	sdelay $0x8  }
0x96: {  	v1 =	vpop (erf)  }
0x97: {  	[tilespmem:$0x101F0] =	vst v1  }
0x98: {  	_ =	swait.ge [sflag:s26], $0x1000  }
0x99: {  	[sflag:s26] =	ssyncset.done $0x0  }
0x9a: {  	s5 =	simm.s32 $0x0;
	s2 =	simm.s32 $0xF190;
	[sflag:s26] =	ssyncadd.s32 $0xFFFFF000  }
0x9b: {  	s4 =	simm.s32 $0x4;
	s3 =	simm.s32 $0xF190;
	s1 =	sadd.s32 $0xCA00, s1;
	v1 =	vld [tilespmem:s2+$0xFFFFFFF0]  }
.LBB2_3:
0x9c: {  	p0 =	sne.s32 s4, $0x1FC;
	v2 =	vld.msk [tilespmem:s5+$0x10180 ss:$0x0], $0xffff  }
0x9d: {  	v3 =	vld [tilespmem:s2+$0x0];
	_ =	sdelay $0x3  }
.Ltmp0:
0x9e: {  	(pc) =	sbr.rel @p0 .LBB2_3-.Ltmp0, $3  }
0x9f: {  	v1 =	vmul.f32 v2, v1;
	v2 =	vmul.f32 v3, v2;
	_ =	sdelay $0x1  }
0xa0: {  	s2 =	sadd.s32 $0x20, s2;
	[tilespmem:s3+$0xFFFFFFF0] =	vst v1  }
0xa1: {  	s5 =	sshra.s32 s4, $0x2;
	s4 =	sadd.s32 $0x4, s4;
	v1 =	vld [tilespmem:s2+$0xFFFFFFF0];
	[tilespmem:s3+$0x0] =	vst v2;
	s3 =	smov.u32 s2  }
0xa2: {  	v2 =	vld.msk [tilespmem:s5+$0x10180 ss:$0x0], $0xffff  }
0xa3: {  	v3 =	vld [tilespmem:s2+$0x0];
	_ =	sdelay $0x3  }
0xa4: {  	v1 =	vmul.f32 v2, v1  }
0xa5: {  	v2 =	vmul.f32 v3, v2  }
0xa6: {  	[tilespmem:s3+$0xFFFFFFF0] =	vst v1  }
0xa7: {  	[tilespmem:s3+$0x0] =	vst v2  }
0xa8: {  	[spmem:s7] =	stream.indirect.scatter.add.f32 [tilespmem:s25], [sflag:$0x2], $0x20, s1, s23, $0xb8;
	[tilespmem:$0x10220] =	vst v63  }
0xa9: {  	s0 =	sadd.s32 $0x1, s0;
	_ =	swait.ge [sflag:s17], $0x1000  }
0xaa: {  	p0 =	sne.s32 s0, $0x4F;
	[sflag:s17] =	ssyncset.done $0x0  }
.Ltmp1:
0xab: {  	[sflag:s17] =	ssyncadd.s32 $0xFFFFF000;
	(pc) =	sbr.rel @p0 .LBB2_2-.Ltmp1, $4  }
0xac: {  	[spmem:s8] =	stream.indirect.scatter.add.f32 [tilespmem:s28], [sflag:$0x2], $0x1, s1, s23, $0xb8;
	[tilespmem:$0x10220] =	vst v63  }
0xad: {  	_ =	swait.ge [sflag:s17], $0x80  }
0xae: {  	[sflag:s17] =	ssyncset.done $0x0  }
0xaf: {  	[sflag:s17] =	ssyncadd.s32 $0xFFFFFF80  }
0xb0: {  	[bflag:$0x0] =	sbarrier.arrive $0xFFFF  }
0xb1: {  	[hbm:s22], [sflag:s30] =	dma.local [spmem:s31], $0xA00  }
0xb2: {  	s29 =	sadd.s32 $0x1, s29;
	_ =	swait.ge [sflag:s17], $0xA00  }
0xb3: {  	p0 =	sne.s32 s29, s15;
	[sflag:s17] =	ssyncset.done $0x0  }
.Ltmp2:
0xb4: {  	[sflag:s17] =	ssyncadd.s32 $0xFFFFF600;
	(pc) =	sbr.rel @p0 .LBB2_1-.Ltmp2, $4  }
0xb5: {  	[hbm:s24], [sflag:s30] =	dma.local [spmem:s6], $0x50  }
0xb6: {  	_ =	swait.ge [sflag:s17], $0x50  }
0xb7: {  	[sflag:s17] =	ssyncset.done $0x0  }
0xb8: {  	[sflag:s17] =	ssyncadd.s32 $0xFFFFFFB0  }
0xb9: {  	_ =	sfence.sel $0x180000  }
0xba: {  	[bflag:$0x0] =	sbarrier.arrive $0xFFFF  }
0xbb: {  	_ =	strace $0x90000047  }
0xbc: {  	s0 =	stileid.u32;
	[bflag:$0x2] =	sbarrier.arrive $0xFFFF  }
0xbd: {  	p0 =	sne.s32 s0, $0x0;
	s0 =	rddreg [dreg:$0x9]  }
0xbe: {  	s0 =	sadd.s32 @!p0 $0x100000, s0  }
0xbf: {  	[sflag:s0] =	ssyncadd.tile.s32 @!p0 $0x1;
	_ =	shalt  }
.Lfunc_end2:
_tile_overlayer_lowered:
.L_overlay_start_2:
0xc0: {  	(tag) =	ssettag $0x2  }
0xc1: {  	s0 =	rddreg [dreg:$0x0];
	s2 =	stileid.u32  }
0xc2: {  	s1 =	rddreg [dreg:$0x1];
	p0 =	sne.s32 s2, $0x0  }
0xc3: {  	s3 =	rddreg [dreg:$0x2];
	[bflag:$0x3] =	sbarrier.arrive $0xFFFF;
	s2 =	simm.s32 @!p0 $0x1C02  }
0xc4: {  	[timem:s3], [sflag:s2] =	dma.local @!p0 [hbm:s0], s1  }
0xc5: {  	s0 =	simm.s32 @!p0 $0x2  }
0xc6: {  	_ =	swait.ge @!p0 [sflag:s0], s1  }
0xc7: {  	s1 =	ssub.s32 @!p0 $0x0, s1;
	[sflag:s0] =	ssyncset.done @!p0 $0x0  }
0xc8: {  	[sflag:s0] =	ssyncadd.s32 @!p0 s1  }
0xc9: {  	[bflag:$0x3] =	sbarrier.arrive $0xFFFF  }
0xca: {  	_ =	shalt  }

</sc_bundles>
